<compile_context>
chip_gen: v7x
topology: tpu7x:2x2x1
jax: 0.10.2.dev20260603
libtpu: 0.0.44.dev20260713+nightly
codegen_flags: <defaults>
</compile_context>

<pallas_src>
import dataclasses
import functools

import jax
import jax.numpy as jnp
from jax import lax
from jax.experimental import pallas as pl
from jax.experimental.pallas import tpu as pltpu
from jax.experimental.pallas import tpu_sc as plsc

NC = 2
NS = 16
NW = NC * NS
L = 16
CH = 128


def _sc_compiler_params():
  cp = pltpu.CompilerParams()
  if "needs_layout_passes" in pltpu.CompilerParams.__dataclass_fields__:
    cp = dataclasses.replace(cp, needs_layout_passes=False)
  return cp


def _sc_histogram(rowp, colp, n_pad, per_worker):
  mesh = plsc.VectorSubcoreMesh(
      core_axis_name="c", subcore_axis_name="s", num_cores=NC, num_subcores=NS)

  @functools.partial(
      pl.kernel,
      out_type=jax.ShapeDtypeStruct((NW, n_pad), jnp.float32),
      mesh=mesh,
      scratch_types=[
          pltpu.VMEM((per_worker,), jnp.int32),
          pltpu.VMEM((per_worker,), jnp.int32),
          pltpu.VMEM((n_pad,), jnp.float32),
      ],
      compiler_params=_sc_compiler_params(),
  )
  def hist(row_hbm, col_hbm, out_hbm, row_v, col_v, deg_v):
    wid = lax.axis_index("s") * NC + lax.axis_index("c")

    @pl.loop(0, n_pad, step=L)
    def _(i):
      deg_v[pl.ds(i, L)] = jnp.zeros((L,), jnp.float32)

    base = wid * per_worker
    pltpu.sync_copy(row_hbm.at[pl.ds(base, per_worker)], row_v)
    pltpu.sync_copy(col_hbm.at[pl.ds(base, per_worker)], col_v)
    ones = jnp.ones((L,), jnp.float32)

    @pl.loop(0, per_worker, step=L)
    def _(j):
      r = row_v[pl.ds(j, L)]
      c = col_v[pl.ds(j, L)]
      plsc.addupdate_scatter(deg_v, [c], ones, mask=r != c)

    pltpu.sync_copy(deg_v, out_hbm.at[wid])

  return hist(rowp, colp)


def _tc_prep(parts_t, x_pad, n_pad):
  nb = n_pad // 512

  def body(p_ref, x_ref, xs_ref, deg_ref):
    deg = jnp.sum(p_ref[...], axis=1, keepdims=True) + 1.0
    xs_ref[...] = x_ref[...] * lax.rsqrt(deg)
    deg_ref[...] = deg

  return pl.pallas_call(
      body,
      grid=(nb,),
      in_specs=[
          pl.BlockSpec((512, NW), lambda i: (i, 0)),
          pl.BlockSpec((512, 128), lambda i: (i, 0)),
      ],
      out_specs=[
          pl.BlockSpec((512, 128), lambda i: (i, 0)),
          pl.BlockSpec((512, 1), lambda i: (i, 0)),
      ],
      out_shape=[
          jax.ShapeDtypeStruct((n_pad, 128), jnp.float32),
          jax.ShapeDtypeStruct((n_pad, 1), jnp.float32),
      ],
  )(parts_t, x_pad)


def _sc_scatter(xs, pidx, n_pad, nc0, nc1, dummy):
  acc_chunks = n_pad // CH
  mesh = plsc.VectorSubcoreMesh(
      core_axis_name="c", subcore_axis_name="s", num_cores=NC, num_subcores=NS)

  @functools.partial(
      pl.kernel,
      out_type=jax.ShapeDtypeStruct((NC, n_pad, 128), jnp.float32),
      mesh=mesh,
      scratch_types=[
          pltpu.VMEM((CH,), jnp.int32),
          pltpu.VMEM((CH,), jnp.int32),
          pltpu.VMEM((CH,), jnp.int32),
          pltpu.VMEM((CH, 128), jnp.float32),
          pltpu.VMEM_SHARED((n_pad, 128), jnp.float32),
          pltpu.SemaphoreType.DMA,
      ],
  )
  def scat(xs_hbm, pidx_hbm, out_hbm,
           pidx_v, row_v, colp_v, rows_v, acc_sh, sem):
    cid = lax.axis_index("c")
    sid = lax.axis_index("s")
    wid = sid * NC + cid

    @pl.loop(0, CH)
    def _(i):
      @pl.loop(0, 128, step=L)
      def _(j):
        rows_v[i, pl.ds(j, L)] = jnp.zeros((L,), jnp.float32)

    @pl.loop(sid, acc_chunks, step=NS)
    def _(i):
      pltpu.sync_copy(rows_v, acc_sh.at[pl.ds(i * CH, CH)])

    plsc.subcore_barrier()

    def edge_loop(n_my, base0):
      base = base0 + sid * n_my * CH

      @pl.loop(0, n_my)
      def _(k):
        off = base + k * CH
        pltpu.sync_copy(pidx_hbm.at[pl.ds(off, CH)], pidx_v)

        @pl.loop(0, CH, step=L)
        def _(j):
          p = pidx_v[pl.ds(j, L)]
          r = jnp.bitwise_and(p, 0xFFFF)
          c = jnp.right_shift(p, 16)
          row_v[pl.ds(j, L)] = r
          colp_v[pl.ds(j, L)] = jnp.where(r == c, dummy, c)

        pltpu.async_copy(xs_hbm.at[row_v], rows_v, sem).wait()
        pltpu.sync_copy(rows_v, acc_sh.at[colp_v], add=True)

    @pl.when(cid == 0)
    def _():
      edge_loop(nc0, 0)

    @pl.when(cid == 1)
    def _():
      edge_loop(nc1, NS * nc0 * CH)

    plsc.subcore_barrier()

    @pl.loop(sid, acc_chunks, step=NS)
    def _(i):
      pltpu.sync_copy(acc_sh.at[pl.ds(i * CH, CH)],
                      out_hbm.at[cid, pl.ds(i * CH, CH)])

  return scat(xs, pidx)


def _tc_final(s, x_pad, deg, wt, b2, n_pad):
  nb = n_pad // 512

  def body(s_ref, x_ref, deg_ref, wt_ref, b_ref, y_ref):
    dis = lax.rsqrt(deg_ref[...])
    agg = (s_ref[0] + s_ref[1]) * dis + x_ref[...] * (dis * dis)
    y_ref[...] = (
        jnp.dot(agg, wt_ref[...], preferred_element_type=jnp.float32)
        + b_ref[...])

  return pl.pallas_call(
      body,
      grid=(nb,),
      in_specs=[
          pl.BlockSpec((NC, 512, 128), lambda i: (0, i, 0)),
          pl.BlockSpec((512, 128), lambda i: (i, 0)),
          pl.BlockSpec((512, 1), lambda i: (i, 0)),
          pl.BlockSpec((128, 128), lambda i: (0, 0)),
          pl.BlockSpec((1, 128), lambda i: (0, 0)),
      ],
      out_specs=pl.BlockSpec((512, 128), lambda i: (i, 0)),
      out_shape=jax.ShapeDtypeStruct((n_pad, 128), jnp.float32),
  )(s, x_pad, deg, wt, b2)


def kernel(x, edge_index, W, b):
  n, d = x.shape
  e = edge_index.shape[1]

  total_chunks = (e + NS * CH - 1) // (NS * CH)
  nc1 = max(1, int(round(total_chunks * 0.384)))
  nc0 = total_chunks - nc1
  e_pad = NS * CH * total_chunks
  per_worker = e_pad // NW
  n_pad = ((n + 511) // 512) * 512

  row = edge_index[0]
  col = edge_index[1]
  pad_e = e_pad - e
  rowp = jnp.concatenate([row, jnp.zeros((pad_e,), jnp.int32)])
  colp = jnp.concatenate([col, jnp.zeros((pad_e,), jnp.int32)])
  x_pad = jnp.pad(x, ((0, n_pad - n), (0, 0)))
  wt = W.T
  b2 = b.reshape(1, -1)

  pidx = jnp.bitwise_or(rowp, jnp.left_shift(colp, 16))

  parts = _sc_histogram(rowp, colp, n_pad, per_worker)
  xs, deg = _tc_prep(parts.T, x_pad, n_pad)
  s = _sc_scatter(xs, pidx, n_pad, nc0, nc1, n)
  y_pad = _tc_final(s, x_pad, deg, wt, b2, n_pad)
  return y_pad[:n]

# --- scband reference (transcript-rebuilt; emitter-appended) ---
"""Pipeline reference for scband-gcnlayer-11888469475390 (READ-ONLY COPY).

The authoritative reference and input builder live on the scoring server;
editing this copy changes nothing except your own understanding.
"""

import jax, jax.numpy as jnp
import numpy as np

N = 10000
E = 320000
D_IN = 128
D_OUT = 128


def setup_inputs(seed: int = 0) -> dict:
    key = jax.random.key(seed)
    k1, k2, k3, k4 = jax.random.split(key, 4)
    x = jax.random.normal(k1, (N, D_IN), dtype=jnp.float32)
    edge_index = jax.random.randint(k2, (2, E), 0, N, dtype=jnp.int32)
    # Linear layer params (lin: in_channels -> hid_channels), PyTorch layout W[out, in]
    W = jax.random.normal(k3, (D_OUT, D_IN), dtype=jnp.float32) * 0.05
    b = jax.random.normal(k4, (D_OUT,), dtype=jnp.float32) * 0.05
    return {"x": x, "edge_index": edge_index, "W": W, "b": b}


def reference(x, edge_index, W, b):
    # GCNLayer with DropMessage strategy -> BbGCN conv, eval mode (no dropout).
    n = x.shape[0]
    row = edge_index[0]
    col = edge_index[1]
    # remove_self_loops: fixed-shape masked equivalent (self-loop edges get zero weight)
    mask = row != col
    # add_self_loops
    loop = jnp.arange(n, dtype=row.dtype)
    row_full = jnp.concatenate([row, loop])
    col_full = jnp.concatenate([col, loop])
    keep = jnp.concatenate([mask, jnp.ones((n,), dtype=bool)])
    # GCN normalization: deg over col (target), edge_weight = d^-1/2[row] * d^-1/2[col]
    deg = jnp.bincount(col, weights=mask.astype(x.dtype), length=n) + jnp.ones((n,), dtype=x.dtype)
    deg_inv_sqrt = jnp.where(deg > 0, deg ** -0.5, 0.0)
    ew = deg_inv_sqrt[row_full] * deg_inv_sqrt[col_full] * keep.astype(x.dtype)
    # message: x_j * edge_weight; aggregate: scatter-add at target nodes
    msgs = x[row_full] * ew[:, None]
    agg = jnp.zeros((n, x.shape[1]), dtype=x.dtype).at[col_full].add(msgs)
    # lin after propagate
    y = agg @ W.T + b
    return y

if __name__ == "__main__":
    import jax
    _d = setup_inputs()
    print(jax.jit(kernel)(*tuple(_d.values())))

</pallas_src>

<mosaic_0001>
#map = affine_map<(d0, d1) -> (0)>
#map1 = affine_map<(d0, d1) -> (0, 0)>
module attributes {stable_mosaic.version = 14 : i64} {
  func.func @hist(%arg0: i32, %arg1: i32, %arg2: memref<321536xi32, #tpu.memory_space<hbm>>, %arg3: memref<321536xi32, #tpu.memory_space<hbm>>, %arg4: memref<32x10240xf32, #tpu.memory_space<hbm>>, %arg5: memref<10048xi32, #tpu.memory_space<vmem>>, %arg6: memref<10048xi32, #tpu.memory_space<vmem>>, %arg7: memref<10240xf32, #tpu.memory_space<vmem>>) attributes {dimension_semantics = [#tpu.dimension_semantics<core_parallel>, #tpu.dimension_semantics<subcore_parallel>], iteration_bounds = array<i64: 2, 16>, scalar_prefetch = 0 : i64, scratch_operands = 3 : i64, tpu.core_type = #tpu.core_type<sc_vector_subcore>, window_params = [{transform_indices = #map}, {transform_indices = #map}, {transform_indices = #map1}]} {
    %mul3A = arith.constant 2 : i32
    %mul3A_0 = arith.muli %arg1, %mul3A : i32
    %add3A = arith.addi %mul3A_0, %arg0 : i32
    %scan3A = arith.constant 0 : i32
    %scan3A_1 = arith.constant 640 : i32
    %scan3A_2 = arith.addi %scan3A, %scan3A_1 : i32
    %scan3A_3 = arith.constant 1 : i32
    scf.for %scan3A_13 = %scan3A to %scan3A_2 step %scan3A_3  : i32 {
      %mul3A_14 = arith.constant 16 : i32
      %mul3A_15 = arith.muli %scan3A_13, %mul3A_14 : i32
      %add3A_16 = arith.constant 0 : i32
      %add3A_17 = arith.addi %add3A_16, %mul3A_15 : i32
      %broadcast_in_dim3A_18 = arith.constant 0.000000e+00 : f32
      %broadcast_in_dim3A_19 = vector.broadcast %broadcast_in_dim3A_18 : f32 to vector<16xf32>
      %swap3A = arith.index_cast %add3A_17 : i32 to index
      %swap3A_20 = tpu.vector_load %arg7[%swap3A] {strides = array<i32>} : memref<10240xf32, #tpu.memory_space<vmem>>, vector<16xf32>,
      tpu.vector_store %arg7[%swap3A], %broadcast_in_dim3A_19 {strides = array<i32>} : memref<10240xf32, #tpu.memory_space<vmem>>, vector<16xf32>,
    }
    %scan3A_4 = arith.constant 640 : i32
    %mul3A_5 = arith.constant 10048 : i32
    %mul3A_6 = arith.muli %add3A, %mul3A_5 : i32
    "tpu.region"() ({
      %run_scoped3A = tpu.sem_alloc : memref<!tpu.dma_semaphore, #tpu.memory_space<semaphore_mem>>
      %dma_start3A = tpu.memref_slice %arg2[%mul3A_6] : memref<321536xi32, #tpu.memory_space<hbm>> -> memref<10048xi32, #tpu.memory_space<hbm>>
      %dma_start3A_13 = tpu.memref_slice %arg2[%mul3A_6] : memref<321536xi32, #tpu.memory_space<hbm>> -> memref<10048xi32, #tpu.memory_space<hbm>>
      tpu.enqueue_dma source(%dma_start3A_13 : memref<10048xi32, #tpu.memory_space<hbm>>) target(%arg5 : memref<10048xi32, #tpu.memory_space<vmem>>) target_semaphore(%run_scoped3A : memref<!tpu.dma_semaphore, #tpu.memory_space<semaphore_mem>>)
      %dma_wait3A = tpu.memref_slice %arg2[%mul3A_6] : memref<321536xi32, #tpu.memory_space<hbm>> -> memref<10048xi32, #tpu.memory_space<hbm>>
      %dma_wait3A_14 = tpu.memref_slice %arg2[%mul3A_6] : memref<321536xi32, #tpu.memory_space<hbm>> -> memref<10048xi32, #tpu.memory_space<hbm>>
      tpu.wait_dma2 semaphore(%run_scoped3A : memref<!tpu.dma_semaphore, #tpu.memory_space<semaphore_mem>>) src(%dma_wait3A_14 : memref<10048xi32, #tpu.memory_space<hbm>>) dst(%arg5 : memref<10048xi32, #tpu.memory_space<vmem>>)
      tpu.yield
    }) : () -> ()
    "tpu.region"() ({
      %run_scoped3A = tpu.sem_alloc : memref<!tpu.dma_semaphore, #tpu.memory_space<semaphore_mem>>
      %dma_start3A = tpu.memref_slice %arg3[%mul3A_6] : memref<321536xi32, #tpu.memory_space<hbm>> -> memref<10048xi32, #tpu.memory_space<hbm>>
      %dma_start3A_13 = tpu.memref_slice %arg3[%mul3A_6] : memref<321536xi32, #tpu.memory_space<hbm>> -> memref<10048xi32, #tpu.memory_space<hbm>>
      tpu.enqueue_dma source(%dma_start3A_13 : memref<10048xi32, #tpu.memory_space<hbm>>) target(%arg6 : memref<10048xi32, #tpu.memory_space<vmem>>) target_semaphore(%run_scoped3A : memref<!tpu.dma_semaphore, #tpu.memory_space<semaphore_mem>>)
      %dma_wait3A = tpu.memref_slice %arg3[%mul3A_6] : memref<321536xi32, #tpu.memory_space<hbm>> -> memref<10048xi32, #tpu.memory_space<hbm>>
      %dma_wait3A_14 = tpu.memref_slice %arg3[%mul3A_6] : memref<321536xi32, #tpu.memory_space<hbm>> -> memref<10048xi32, #tpu.memory_space<hbm>>
      tpu.wait_dma2 semaphore(%run_scoped3A : memref<!tpu.dma_semaphore, #tpu.memory_space<semaphore_mem>>) src(%dma_wait3A_14 : memref<10048xi32, #tpu.memory_space<hbm>>) dst(%arg6 : memref<10048xi32, #tpu.memory_space<vmem>>)
      tpu.yield
    }) : () -> ()
    %broadcast_in_dim3A = arith.constant 1.000000e+00 : f32
    %broadcast_in_dim3A_7 = vector.broadcast %broadcast_in_dim3A : f32 to vector<16xf32>
    %scan3A_8 = arith.constant 0 : i32
    %scan3A_9 = arith.constant 628 : i32
    %scan3A_10 = arith.addi %scan3A_8, %scan3A_9 : i32
    %scan3A_11 = arith.constant 1 : i32
    scf.for %scan3A_13 = %scan3A_8 to %scan3A_10 step %scan3A_11  : i32 {
      %mul3A_14 = arith.constant 16 : i32
      %mul3A_15 = arith.muli %scan3A_13, %mul3A_14 : i32
      %add3A_16 = arith.constant 0 : i32
      %add3A_17 = arith.addi %add3A_16, %mul3A_15 : i32
      %get3A = arith.index_cast %add3A_17 : i32 to index
      %get3A_18 = tpu.vector_load %arg5[%get3A] {strides = array<i32>} : memref<10048xi32, #tpu.memory_space<vmem>>, vector<16xi32>,
      %get3A_19 = arith.index_cast %add3A_17 : i32 to index
      %get3A_20 = tpu.vector_load %arg6[%get3A_19] {strides = array<i32>} : memref<10048xi32, #tpu.memory_space<vmem>>, vector<16xi32>,
      %ne3A = arith.cmpi ne, %get3A_18, %get3A_20 : vector<16xi32>
      tpu.vector_store_idx %arg7[%get3A_20], %broadcast_in_dim3A_7 masked %ne3A {add = true} : memref<10240xf32, #tpu.memory_space<vmem>>[vector<16xi32>], vector<16xf32>, vector<16xi1>
    }
    %scan3A_12 = arith.constant 628 : i32
    "tpu.region"() ({
      %run_scoped3A = tpu.sem_alloc : memref<!tpu.dma_semaphore, #tpu.memory_space<semaphore_mem>>
      %dma_start3A = arith.constant 0 : i32
      %dma_start3A_13 = tpu.memref_slice %arg4[%add3A, %dma_start3A] : memref<32x10240xf32, #tpu.memory_space<hbm>> -> memref<1x10240xf32, #tpu.memory_space<hbm>>
      %dma_start3A_14 = tpu.memref_squeeze %dma_start3A_13 : memref<1x10240xf32, #tpu.memory_space<hbm>> -> memref<10240xf32, #tpu.memory_space<hbm>>
      %dma_start3A_15 = arith.constant 0 : i32
      %dma_start3A_16 = tpu.memref_slice %arg4[%add3A, %dma_start3A_15] : memref<32x10240xf32, #tpu.memory_space<hbm>> -> memref<1x10240xf32, #tpu.memory_space<hbm>>
      %dma_start3A_17 = tpu.memref_squeeze %dma_start3A_16 : memref<1x10240xf32, #tpu.memory_space<hbm>> -> memref<10240xf32, #tpu.memory_space<hbm>>
      tpu.enqueue_dma source(%arg7 : memref<10240xf32, #tpu.memory_space<vmem>>) target(%dma_start3A_17 : memref<10240xf32, #tpu.memory_space<hbm>>) target_semaphore(%run_scoped3A : memref<!tpu.dma_semaphore, #tpu.memory_space<semaphore_mem>>)
      %dma_wait3A = arith.constant 0 : i32
      %dma_wait3A_18 = tpu.memref_slice %arg4[%add3A, %dma_wait3A] : memref<32x10240xf32, #tpu.memory_space<hbm>> -> memref<1x10240xf32, #tpu.memory_space<hbm>>
      %dma_wait3A_19 = tpu.memref_squeeze %dma_wait3A_18 : memref<1x10240xf32, #tpu.memory_space<hbm>> -> memref<10240xf32, #tpu.memory_space<hbm>>
      %dma_wait3A_20 = arith.constant 0 : i32
      %dma_wait3A_21 = tpu.memref_slice %arg4[%add3A, %dma_wait3A_20] : memref<32x10240xf32, #tpu.memory_space<hbm>> -> memref<1x10240xf32, #tpu.memory_space<hbm>>
      %dma_wait3A_22 = tpu.memref_squeeze %dma_wait3A_21 : memref<1x10240xf32, #tpu.memory_space<hbm>> -> memref<10240xf32, #tpu.memory_space<hbm>>
      tpu.wait_dma2 semaphore(%run_scoped3A : memref<!tpu.dma_semaphore, #tpu.memory_space<semaphore_mem>>) src(%arg7 : memref<10240xf32, #tpu.memory_space<vmem>>) dst(%dma_wait3A_22 : memref<10240xf32, #tpu.memory_space<hbm>>)
      tpu.yield
    }) : () -> ()
    return
  }
}

#map = affine_map<(d0, d1) -> (0, 0)>
#map1 = affine_map<(d0, d1) -> (0)>
#map2 = affine_map<(d0, d1) -> (0, 0, 0)>
module attributes {stable_mosaic.version = 14 : i64} {
  func.func @scat(%arg0: i32, %arg1: i32, %arg2: memref<10240x128xf32, #tpu.memory_space<hbm>>, %arg3: memref<321536xi32, #tpu.memory_space<hbm>>, %arg4: memref<2x10240x128xf32, #tpu.memory_space<hbm>>, %arg5: memref<128xi32, #tpu.memory_space<vmem>>, %arg6: memref<128xi32, #tpu.memory_space<vmem>>, %arg7: memref<128xi32, #tpu.memory_space<vmem>>, %arg8: memref<128x128xf32, #tpu.memory_space<vmem>>, %arg9: memref<10240x128xf32, #tpu.memory_space<vmem_shared>>, %arg10: memref<!tpu.dma_semaphore, #tpu.memory_space<semaphore_mem>>) attributes {dimension_semantics = [#tpu.dimension_semantics<core_parallel>, #tpu.dimension_semantics<subcore_parallel>], iteration_bounds = array<i64: 2, 16>, scalar_prefetch = 0 : i64, scratch_operands = 6 : i64, tpu.core_type = #tpu.core_type<sc_vector_subcore>, window_params = [{transform_indices = #map}, {transform_indices = #map1}, {transform_indices = #map2}]} {
    %mul3A = arith.constant 2 : i32
    %mul3A_0 = arith.muli %arg1, %mul3A : i32
    %add3A = arith.addi %mul3A_0, %arg0 : i32
    %scan3A = arith.constant 0 : i32
    %scan3A_1 = arith.constant 128 : i32
    %scan3A_2 = arith.addi %scan3A, %scan3A_1 : i32
    %scan3A_3 = arith.constant 1 : i32
    scf.for %scan3A_46 = %scan3A to %scan3A_2 step %scan3A_3  : i32 {
      %mul3A_47 = arith.constant 1 : i32
      %mul3A_48 = arith.muli %scan3A_46, %mul3A_47 : i32
      %add3A_49 = arith.constant 0 : i32
      %add3A_50 = arith.addi %add3A_49, %mul3A_48 : i32
      %scan3A_51 = arith.constant 0 : i32
      %scan3A_52 = arith.constant 8 : i32
      %scan3A_53 = arith.addi %scan3A_51, %scan3A_52 : i32
      %scan3A_54 = arith.constant 1 : i32
      scf.for %scan3A_56 = %scan3A_51 to %scan3A_53 step %scan3A_54  : i32 {
        %mul3A_57 = arith.constant 16 : i32
        %mul3A_58 = arith.muli %scan3A_56, %mul3A_57 : i32
        %add3A_59 = arith.constant 0 : i32
        %add3A_60 = arith.addi %add3A_59, %mul3A_58 : i32
        %broadcast_in_dim3A = arith.constant 0.000000e+00 : f32
        %broadcast_in_dim3A_61 = vector.broadcast %broadcast_in_dim3A : f32 to vector<16xf32>
        %swap3A = arith.index_cast %add3A_50 : i32 to index
        %swap3A_62 = arith.index_cast %add3A_60 : i32 to index
        %swap3A_63 = tpu.vector_load %arg8[%swap3A, %swap3A_62] {strides = array<i32>} : memref<128x128xf32, #tpu.memory_space<vmem>>, vector<1x16xf32>,
        %swap3A_64 = vector.shape_cast %swap3A_63 : vector<1x16xf32> to vector<16xf32>
        %swap3A_65 = vector.shape_cast %broadcast_in_dim3A_61 : vector<16xf32> to vector<1x16xf32>
        tpu.vector_store %arg8[%swap3A, %swap3A_62], %swap3A_65 {strides = array<i32>} : memref<128x128xf32, #tpu.memory_space<vmem>>, vector<1x16xf32>,
      }
      %scan3A_55 = arith.constant 8 : i32
    }
    %scan3A_4 = arith.constant 128 : i32
    %sub3A = arith.constant 80 : i32
    %sub3A_5 = arith.subi %sub3A, %arg1 : i32
    %sub3A_6 = arith.constant 16 : i32
    %sub3A_7 = arith.constant 1 : i32
    %sub3A_8 = arith.subi %sub3A_6, %sub3A_7 : i32
    %add3A_9 = arith.addi %sub3A_5, %sub3A_8 : i32
    %div3A = arith.constant 16 : i32
    %div3A_10 = arith.divsi %add3A_9, %div3A : i32
    %while3A = arith.constant 16 : i32
    %while3A_11 = arith.constant 0 : i32
    %while3A_12 = arith.subi %div3A_10, %while3A_11 : i32
    %while3A_13 = arith.addi %while3A_11, %while3A_12 : i32
    %while3A_14 = arith.constant 1 : i32
    %while3A_15 = arith.divsi %while3A_12, %while3A_14 : i32
    %while3A_16 = arith.muli %while3A_15, %while3A_14 : i32
    %while3A_17 = arith.addi %while3A_11, %while3A_16 : i32
    %while3A_18 = arith.constant 1 : i32
    scf.for %while3A_46 = %while3A_11 to %while3A_17 step %while3A_18  : i32 {
      %mul3A_47 = arith.muli %while3A_46, %while3A : i32
      %add3A_48 = arith.addi %arg1, %mul3A_47 : i32
      %mul3A_49 = arith.constant 128 : i32
      %mul3A_50 = arith.muli %add3A_48, %mul3A_49 : i32
      "tpu.region"() ({
        %run_scoped3A = tpu.sem_alloc : memref<!tpu.dma_semaphore, #tpu.memory_space<semaphore_mem>>
        %dma_start3A = arith.constant 0 : i32
        %dma_start3A_51 = tpu.memref_slice %arg9[%mul3A_50, %dma_start3A] : memref<10240x128xf32, #tpu.memory_space<vmem_shared>> -> memref<128x128xf32, #tpu.memory_space<vmem_shared>>
        %dma_start3A_52 = arith.constant 0 : i32
        %dma_start3A_53 = tpu.memref_slice %arg9[%mul3A_50, %dma_start3A_52] : memref<10240x128xf32, #tpu.memory_space<vmem_shared>> -> memref<128x128xf32, #tpu.memory_space<vmem_shared>>
        tpu.enqueue_dma source(%arg8 : memref<128x128xf32, #tpu.memory_space<vmem>>) target(%dma_start3A_53 : memref<128x128xf32, #tpu.memory_space<vmem_shared>>) target_semaphore(%run_scoped3A : memref<!tpu.dma_semaphore, #tpu.memory_space<semaphore_mem>>)
        %dma_wait3A = arith.constant 0 : i32
        %dma_wait3A_54 = tpu.memref_slice %arg9[%mul3A_50, %dma_wait3A] : memref<10240x128xf32, #tpu.memory_space<vmem_shared>> -> memref<128x128xf32, #tpu.memory_space<vmem_shared>>
        %dma_wait3A_55 = arith.constant 0 : i32
        %dma_wait3A_56 = tpu.memref_slice %arg9[%mul3A_50, %dma_wait3A_55] : memref<10240x128xf32, #tpu.memory_space<vmem_shared>> -> memref<128x128xf32, #tpu.memory_space<vmem_shared>>
        tpu.wait_dma2 semaphore(%run_scoped3A : memref<!tpu.dma_semaphore, #tpu.memory_space<semaphore_mem>>) src(%arg8 : memref<128x128xf32, #tpu.memory_space<vmem>>) dst(%dma_wait3A_56 : memref<128x128xf32, #tpu.memory_space<vmem_shared>>)
        tpu.yield
      }) : () -> ()
    }
    %while3A_19 = arith.constant 1 : i32
    scf.for %while3A_46 = %while3A_17 to %while3A_13 step %while3A_19  : i32 {
      %mul3A_47 = arith.muli %while3A_46, %while3A : i32
      %add3A_48 = arith.addi %arg1, %mul3A_47 : i32
      %mul3A_49 = arith.constant 128 : i32
      %mul3A_50 = arith.muli %add3A_48, %mul3A_49 : i32
      "tpu.region"() ({
        %run_scoped3A = tpu.sem_alloc : memref<!tpu.dma_semaphore, #tpu.memory_space<semaphore_mem>>
        %dma_start3A = arith.constant 0 : i32
        %dma_start3A_51 = tpu.memref_slice %arg9[%mul3A_50, %dma_start3A] : memref<10240x128xf32, #tpu.memory_space<vmem_shared>> -> memref<128x128xf32, #tpu.memory_space<vmem_shared>>
        %dma_start3A_52 = arith.constant 0 : i32
        %dma_start3A_53 = tpu.memref_slice %arg9[%mul3A_50, %dma_start3A_52] : memref<10240x128xf32, #tpu.memory_space<vmem_shared>> -> memref<128x128xf32, #tpu.memory_space<vmem_shared>>
        tpu.enqueue_dma source(%arg8 : memref<128x128xf32, #tpu.memory_space<vmem>>) target(%dma_start3A_53 : memref<128x128xf32, #tpu.memory_space<vmem_shared>>) target_semaphore(%run_scoped3A : memref<!tpu.dma_semaphore, #tpu.memory_space<semaphore_mem>>)
        %dma_wait3A = arith.constant 0 : i32
        %dma_wait3A_54 = tpu.memref_slice %arg9[%mul3A_50, %dma_wait3A] : memref<10240x128xf32, #tpu.memory_space<vmem_shared>> -> memref<128x128xf32, #tpu.memory_space<vmem_shared>>
        %dma_wait3A_55 = arith.constant 0 : i32
        %dma_wait3A_56 = tpu.memref_slice %arg9[%mul3A_50, %dma_wait3A_55] : memref<10240x128xf32, #tpu.memory_space<vmem_shared>> -> memref<128x128xf32, #tpu.memory_space<vmem_shared>>
        tpu.wait_dma2 semaphore(%run_scoped3A : memref<!tpu.dma_semaphore, #tpu.memory_space<semaphore_mem>>) src(%arg8 : memref<128x128xf32, #tpu.memory_space<vmem>>) dst(%dma_wait3A_56 : memref<128x128xf32, #tpu.memory_space<vmem_shared>>)
        tpu.yield
      }) : () -> ()
    }
    %barrier3A = arith.constant 0 : index
    tpu.barrier barrier_id(%barrier3A)
    %eq3A = arith.constant 0 : i32
    %eq3A_20 = arith.cmpi eq, %arg0, %eq3A : i32
    %convert_element_type3A = arith.extui %eq3A_20 : i1 to i32
    %cond3A = arith.constant 0 : i32
    %cond3A_21 = arith.cmpi ne, %convert_element_type3A, %cond3A : i32
    scf.if %cond3A_21 {
      %mul3A_46 = arith.constant 97 : i32
      %mul3A_47 = arith.muli %arg1, %mul3A_46 : i32
      %mul3A_48 = arith.constant 128 : i32
      %mul3A_49 = arith.muli %mul3A_47, %mul3A_48 : i32
      %add3A_50 = arith.constant 0 : i32
      %add3A_51 = arith.addi %add3A_50, %mul3A_49 : i32
      %scan3A_52 = arith.constant 0 : i32
      %scan3A_53 = arith.constant 97 : i32
      %scan3A_54 = arith.addi %scan3A_52, %scan3A_53 : i32
      %scan3A_55 = arith.constant 1 : i32
      scf.for %scan3A_57 = %scan3A_52 to %scan3A_54 step %scan3A_55  : i32 {
        %mul3A_58 = arith.constant 1 : i32
        %mul3A_59 = arith.muli %scan3A_57, %mul3A_58 : i32
        %add3A_60 = arith.constant 0 : i32
        %add3A_61 = arith.addi %add3A_60, %mul3A_59 : i32
        %mul3A_62 = arith.constant 128 : i32
        %mul3A_63 = arith.muli %add3A_61, %mul3A_62 : i32
        %add3A_64 = arith.addi %add3A_51, %mul3A_63 : i32
        "tpu.region"() ({
          %run_scoped3A = tpu.sem_alloc : memref<!tpu.dma_semaphore, #tpu.memory_space<semaphore_mem>>
          %dma_start3A_74 = tpu.memref_slice %arg3[%add3A_64] : memref<321536xi32, #tpu.memory_space<hbm>> -> memref<128xi32, #tpu.memory_space<hbm>>
          %dma_start3A_75 = tpu.memref_slice %arg3[%add3A_64] : memref<321536xi32, #tpu.memory_space<hbm>> -> memref<128xi32, #tpu.memory_space<hbm>>
          tpu.enqueue_dma source(%dma_start3A_75 : memref<128xi32, #tpu.memory_space<hbm>>) target(%arg5 : memref<128xi32, #tpu.memory_space<vmem>>) target_semaphore(%run_scoped3A : memref<!tpu.dma_semaphore, #tpu.memory_space<semaphore_mem>>)
          %dma_wait3A_76 = tpu.memref_slice %arg3[%add3A_64] : memref<321536xi32, #tpu.memory_space<hbm>> -> memref<128xi32, #tpu.memory_space<hbm>>
          %dma_wait3A_77 = tpu.memref_slice %arg3[%add3A_64] : memref<321536xi32, #tpu.memory_space<hbm>> -> memref<128xi32, #tpu.memory_space<hbm>>
          tpu.wait_dma2 semaphore(%run_scoped3A : memref<!tpu.dma_semaphore, #tpu.memory_space<semaphore_mem>>) src(%dma_wait3A_77 : memref<128xi32, #tpu.memory_space<hbm>>) dst(%arg5 : memref<128xi32, #tpu.memory_space<vmem>>)
          tpu.yield
        }) : () -> ()
        %scan3A_65 = arith.constant 0 : i32
        %scan3A_66 = arith.constant 8 : i32
        %scan3A_67 = arith.addi %scan3A_65, %scan3A_66 : i32
        %scan3A_68 = arith.constant 1 : i32
        scf.for %scan3A_74 = %scan3A_65 to %scan3A_67 step %scan3A_68  : i32 {
          %mul3A_75 = arith.constant 16 : i32
          %mul3A_76 = arith.muli %scan3A_74, %mul3A_75 : i32
          %add3A_77 = arith.constant 0 : i32
          %add3A_78 = arith.addi %add3A_77, %mul3A_76 : i32
          %get3A = arith.index_cast %add3A_78 : i32 to index
          %get3A_79 = tpu.vector_load %arg5[%get3A] {strides = array<i32>} : memref<128xi32, #tpu.memory_space<vmem>>, vector<16xi32>,
          %get3A_80 = vector.shape_cast %get3A_79 : vector<16xi32> to vector<16xi32>
          %and3A = arith.constant 65535 : i32
          %and3A_81 = vector.broadcast %and3A : i32 to vector<16xi32>
          %and3A_82 = arith.andi %get3A_80, %and3A_81 : vector<16xi32>
          %shift_right_arithmetic3A = arith.constant 16 : i32
          %shift_right_arithmetic3A_83 = vector.broadcast %shift_right_arithmetic3A : i32 to vector<16xi32>
          %shift_right_arithmetic3A_84 = arith.shrsi %get3A_80, %shift_right_arithmetic3A_83 : vector<16xi32>
          %swap3A = arith.index_cast %add3A_78 : i32 to index
          %swap3A_85 = tpu.vector_load %arg6[%swap3A] {strides = array<i32>} : memref<128xi32, #tpu.memory_space<vmem>>, vector<16xi32>,
          %swap3A_86 = vector.shape_cast %swap3A_85 : vector<16xi32> to vector<16xi32>
          %swap3A_87 = vector.shape_cast %and3A_82 : vector<16xi32> to vector<16xi32>
          tpu.vector_store %arg6[%swap3A], %swap3A_87 {strides = array<i32>} : memref<128xi32, #tpu.memory_space<vmem>>, vector<16xi32>,
          %eq3A_88 = arith.cmpi eq, %and3A_82, %shift_right_arithmetic3A_84 : vector<16xi32>
          %jit3A = arith.constant 10000 : i32
          %broadcast_in_dim3A = vector.broadcast %jit3A : i32 to vector<16xi32>
          %select_n3A = arith.select %eq3A_88, %broadcast_in_dim3A, %shift_right_arithmetic3A_84 : vector<16xi1>, vector<16xi32>
          %swap3A_89 = arith.index_cast %add3A_78 : i32 to index
          %swap3A_90 = tpu.vector_load %arg7[%swap3A_89] {strides = array<i32>} : memref<128xi32, #tpu.memory_space<vmem>>, vector<16xi32>,
          %swap3A_91 = vector.shape_cast %swap3A_90 : vector<16xi32> to vector<16xi32>
          %swap3A_92 = vector.shape_cast %select_n3A : vector<16xi32> to vector<16xi32>
          tpu.vector_store %arg7[%swap3A_89], %swap3A_92 {strides = array<i32>} : memref<128xi32, #tpu.memory_space<vmem>>, vector<16xi32>,
        }
        %scan3A_69 = arith.constant 8 : i32
        %dma_start3A = arith.constant 0 : i32
        %dma_start3A_70 = arith.constant 0 : i32
        %dma_start3A_71 = tpu.memref_slice %arg2[%dma_start3A, %dma_start3A_70] : memref<10240x128xf32, #tpu.memory_space<hbm>> -> memref<10240x128xf32, #tpu.memory_space<hbm>>
        tpu.enqueue_indirect_dma source(%dma_start3A_71 : memref<10240x128xf32, #tpu.memory_space<hbm>>) target(%arg8 : memref<128x128xf32, #tpu.memory_space<vmem>>) offsets(%arg6 : memref<128xi32, #tpu.memory_space<vmem>>) semaphore(%arg10 : memref<!tpu.dma_semaphore, #tpu.memory_space<semaphore_mem>>)
        %dma_wait3A = arith.constant 0 : i32
        %dma_wait3A_72 = arith.constant 0 : i32
        %dma_wait3A_73 = tpu.memref_slice %arg2[%dma_wait3A, %dma_wait3A_72] : memref<10240x128xf32, #tpu.memory_space<hbm>> -> memref<10240x128xf32, #tpu.memory_space<hbm>>
        tpu.wait_indirect_dma semaphore(%arg10 : memref<!tpu.dma_semaphore, #tpu.memory_space<semaphore_mem>>) src(%dma_wait3A_73 : memref<10240x128xf32, #tpu.memory_space<hbm>>) dst(%arg8 : memref<128x128xf32, #tpu.memory_space<vmem>>)
        "tpu.region"() ({
          %run_scoped3A = tpu.sem_alloc : memref<!tpu.dma_semaphore, #tpu.memory_space<semaphore_mem>>
          %dma_start3A_74 = arith.constant 0 : i32
          %dma_start3A_75 = arith.constant 0 : i32
          %dma_start3A_76 = tpu.memref_slice %arg9[%dma_start3A_74, %dma_start3A_75] : memref<10240x128xf32, #tpu.memory_space<vmem_shared>> -> memref<10240x128xf32, #tpu.memory_space<vmem_shared>>
          tpu.enqueue_indirect_dma source(%arg8 : memref<128x128xf32, #tpu.memory_space<vmem>>) target(%dma_start3A_76 : memref<10240x128xf32, #tpu.memory_space<vmem_shared>>) offsets(%arg7 : memref<128xi32, #tpu.memory_space<vmem>>) semaphore(%run_scoped3A : memref<!tpu.dma_semaphore, #tpu.memory_space<semaphore_mem>>) {add = true}
          %dma_wait3A_77 = arith.constant 0 : i32
          %dma_wait3A_78 = arith.constant 0 : i32
          %dma_wait3A_79 = tpu.memref_slice %arg9[%dma_wait3A_77, %dma_wait3A_78] : memref<10240x128xf32, #tpu.memory_space<vmem_shared>> -> memref<10240x128xf32, #tpu.memory_space<vmem_shared>>
          tpu.wait_indirect_dma semaphore(%run_scoped3A : memref<!tpu.dma_semaphore, #tpu.memory_space<semaphore_mem>>) src(%arg8 : memref<128x128xf32, #tpu.memory_space<vmem>>) dst(%dma_wait3A_79 : memref<10240x128xf32, #tpu.memory_space<vmem_shared>>)
          tpu.yield
        }) : () -> ()
      }
      %scan3A_56 = arith.constant 97 : i32
    } else {
    }
    %eq3A_22 = arith.constant 1 : i32
    %eq3A_23 = arith.cmpi eq, %arg0, %eq3A_22 : i32
    %convert_element_type3A_24 = arith.extui %eq3A_23 : i1 to i32
    %cond3A_25 = arith.constant 0 : i32
    %cond3A_26 = arith.cmpi ne, %convert_element_type3A_24, %cond3A_25 : i32
    scf.if %cond3A_26 {
      %mul3A_46 = arith.constant 60 : i32
      %mul3A_47 = arith.muli %arg1, %mul3A_46 : i32
      %mul3A_48 = arith.constant 128 : i32
      %mul3A_49 = arith.muli %mul3A_47, %mul3A_48 : i32
      %add3A_50 = arith.constant 198656 : i32
      %add3A_51 = arith.addi %add3A_50, %mul3A_49 : i32
      %scan3A_52 = arith.constant 0 : i32
      %scan3A_53 = arith.constant 60 : i32
      %scan3A_54 = arith.addi %scan3A_52, %scan3A_53 : i32
      %scan3A_55 = arith.constant 1 : i32
      scf.for %scan3A_57 = %scan3A_52 to %scan3A_54 step %scan3A_55  : i32 {
        %mul3A_58 = arith.constant 1 : i32
        %mul3A_59 = arith.muli %scan3A_57, %mul3A_58 : i32
        %add3A_60 = arith.constant 0 : i32
        %add3A_61 = arith.addi %add3A_60, %mul3A_59 : i32
        %mul3A_62 = arith.constant 128 : i32
        %mul3A_63 = arith.muli %add3A_61, %mul3A_62 : i32
        %add3A_64 = arith.addi %add3A_51, %mul3A_63 : i32
        "tpu.region"() ({
          %run_scoped3A = tpu.sem_alloc : memref<!tpu.dma_semaphore, #tpu.memory_space<semaphore_mem>>
          %dma_start3A_74 = tpu.memref_slice %arg3[%add3A_64] : memref<321536xi32, #tpu.memory_space<hbm>> -> memref<128xi32, #tpu.memory_space<hbm>>
          %dma_start3A_75 = tpu.memref_slice %arg3[%add3A_64] : memref<321536xi32, #tpu.memory_space<hbm>> -> memref<128xi32, #tpu.memory_space<hbm>>
          tpu.enqueue_dma source(%dma_start3A_75 : memref<128xi32, #tpu.memory_space<hbm>>) target(%arg5 : memref<128xi32, #tpu.memory_space<vmem>>) target_semaphore(%run_scoped3A : memref<!tpu.dma_semaphore, #tpu.memory_space<semaphore_mem>>)
          %dma_wait3A_76 = tpu.memref_slice %arg3[%add3A_64] : memref<321536xi32, #tpu.memory_space<hbm>> -> memref<128xi32, #tpu.memory_space<hbm>>
          %dma_wait3A_77 = tpu.memref_slice %arg3[%add3A_64] : memref<321536xi32, #tpu.memory_space<hbm>> -> memref<128xi32, #tpu.memory_space<hbm>>
          tpu.wait_dma2 semaphore(%run_scoped3A : memref<!tpu.dma_semaphore, #tpu.memory_space<semaphore_mem>>) src(%dma_wait3A_77 : memref<128xi32, #tpu.memory_space<hbm>>) dst(%arg5 : memref<128xi32, #tpu.memory_space<vmem>>)
          tpu.yield
        }) : () -> ()
        %scan3A_65 = arith.constant 0 : i32
        %scan3A_66 = arith.constant 8 : i32
        %scan3A_67 = arith.addi %scan3A_65, %scan3A_66 : i32
        %scan3A_68 = arith.constant 1 : i32
        scf.for %scan3A_74 = %scan3A_65 to %scan3A_67 step %scan3A_68  : i32 {
          %mul3A_75 = arith.constant 16 : i32
          %mul3A_76 = arith.muli %scan3A_74, %mul3A_75 : i32
          %add3A_77 = arith.constant 0 : i32
          %add3A_78 = arith.addi %add3A_77, %mul3A_76 : i32
          %get3A = arith.index_cast %add3A_78 : i32 to index
          %get3A_79 = tpu.vector_load %arg5[%get3A] {strides = array<i32>} : memref<128xi32, #tpu.memory_space<vmem>>, vector<16xi32>,
          %get3A_80 = vector.shape_cast %get3A_79 : vector<16xi32> to vector<16xi32>
          %and3A = arith.constant 65535 : i32
          %and3A_81 = vector.broadcast %and3A : i32 to vector<16xi32>
          %and3A_82 = arith.andi %get3A_80, %and3A_81 : vector<16xi32>
          %shift_right_arithmetic3A = arith.constant 16 : i32
          %shift_right_arithmetic3A_83 = vector.broadcast %shift_right_arithmetic3A : i32 to vector<16xi32>
          %shift_right_arithmetic3A_84 = arith.shrsi %get3A_80, %shift_right_arithmetic3A_83 : vector<16xi32>
          %swap3A = arith.index_cast %add3A_78 : i32 to index
          %swap3A_85 = tpu.vector_load %arg6[%swap3A] {strides = array<i32>} : memref<128xi32, #tpu.memory_space<vmem>>, vector<16xi32>,
          %swap3A_86 = vector.shape_cast %swap3A_85 : vector<16xi32> to vector<16xi32>
          %swap3A_87 = vector.shape_cast %and3A_82 : vector<16xi32> to vector<16xi32>
          tpu.vector_store %arg6[%swap3A], %swap3A_87 {strides = array<i32>} : memref<128xi32, #tpu.memory_space<vmem>>, vector<16xi32>,
          %eq3A_88 = arith.cmpi eq, %and3A_82, %shift_right_arithmetic3A_84 : vector<16xi32>
          %jit3A = arith.constant 10000 : i32
          %broadcast_in_dim3A = vector.broadcast %jit3A : i32 to vector<16xi32>
          %select_n3A = arith.select %eq3A_88, %broadcast_in_dim3A, %shift_right_arithmetic3A_84 : vector<16xi1>, vector<16xi32>
          %swap3A_89 = arith.index_cast %add3A_78 : i32 to index
          %swap3A_90 = tpu.vector_load %arg7[%swap3A_89] {strides = array<i32>} : memref<128xi32, #tpu.memory_space<vmem>>, vector<16xi32>,
          %swap3A_91 = vector.shape_cast %swap3A_90 : vector<16xi32> to vector<16xi32>
          %swap3A_92 = vector.shape_cast %select_n3A : vector<16xi32> to vector<16xi32>
          tpu.vector_store %arg7[%swap3A_89], %swap3A_92 {strides = array<i32>} : memref<128xi32, #tpu.memory_space<vmem>>, vector<16xi32>,
        }
        %scan3A_69 = arith.constant 8 : i32
        %dma_start3A = arith.constant 0 : i32
        %dma_start3A_70 = arith.constant 0 : i32
        %dma_start3A_71 = tpu.memref_slice %arg2[%dma_start3A, %dma_start3A_70] : memref<10240x128xf32, #tpu.memory_space<hbm>> -> memref<10240x128xf32, #tpu.memory_space<hbm>>
        tpu.enqueue_indirect_dma source(%dma_start3A_71 : memref<10240x128xf32, #tpu.memory_space<hbm>>) target(%arg8 : memref<128x128xf32, #tpu.memory_space<vmem>>) offsets(%arg6 : memref<128xi32, #tpu.memory_space<vmem>>) semaphore(%arg10 : memref<!tpu.dma_semaphore, #tpu.memory_space<semaphore_mem>>)
        %dma_wait3A = arith.constant 0 : i32
        %dma_wait3A_72 = arith.constant 0 : i32
        %dma_wait3A_73 = tpu.memref_slice %arg2[%dma_wait3A, %dma_wait3A_72] : memref<10240x128xf32, #tpu.memory_space<hbm>> -> memref<10240x128xf32, #tpu.memory_space<hbm>>
        tpu.wait_indirect_dma semaphore(%arg10 : memref<!tpu.dma_semaphore, #tpu.memory_space<semaphore_mem>>) src(%dma_wait3A_73 : memref<10240x128xf32, #tpu.memory_space<hbm>>) dst(%arg8 : memref<128x128xf32, #tpu.memory_space<vmem>>)
        "tpu.region"() ({
          %run_scoped3A = tpu.sem_alloc : memref<!tpu.dma_semaphore, #tpu.memory_space<semaphore_mem>>
          %dma_start3A_74 = arith.constant 0 : i32
          %dma_start3A_75 = arith.constant 0 : i32
          %dma_start3A_76 = tpu.memref_slice %arg9[%dma_start3A_74, %dma_start3A_75] : memref<10240x128xf32, #tpu.memory_space<vmem_shared>> -> memref<10240x128xf32, #tpu.memory_space<vmem_shared>>
          tpu.enqueue_indirect_dma source(%arg8 : memref<128x128xf32, #tpu.memory_space<vmem>>) target(%dma_start3A_76 : memref<10240x128xf32, #tpu.memory_space<vmem_shared>>) offsets(%arg7 : memref<128xi32, #tpu.memory_space<vmem>>) semaphore(%run_scoped3A : memref<!tpu.dma_semaphore, #tpu.memory_space<semaphore_mem>>) {add = true}
          %dma_wait3A_77 = arith.constant 0 : i32
          %dma_wait3A_78 = arith.constant 0 : i32
          %dma_wait3A_79 = tpu.memref_slice %arg9[%dma_wait3A_77, %dma_wait3A_78] : memref<10240x128xf32, #tpu.memory_space<vmem_shared>> -> memref<10240x128xf32, #tpu.memory_space<vmem_shared>>
          tpu.wait_indirect_dma semaphore(%run_scoped3A : memref<!tpu.dma_semaphore, #tpu.memory_space<semaphore_mem>>) src(%arg8 : memref<128x128xf32, #tpu.memory_space<vmem>>) dst(%dma_wait3A_79 : memref<10240x128xf32, #tpu.memory_space<vmem_shared>>)
          tpu.yield
        }) : () -> ()
      }
      %scan3A_56 = arith.constant 60 : i32
    } else {
    }
    %barrier3A_27 = arith.constant 0 : index
    tpu.barrier barrier_id(%barrier3A_27)
    %sub3A_28 = arith.constant 80 : i32
    %sub3A_29 = arith.subi %sub3A_28, %arg1 : i32
    %sub3A_30 = arith.constant 16 : i32
    %sub3A_31 = arith.constant 1 : i32
    %sub3A_32 = arith.subi %sub3A_30, %sub3A_31 : i32
    %add3A_33 = arith.addi %sub3A_29, %sub3A_32 : i32
    %div3A_34 = arith.constant 16 : i32
    %div3A_35 = arith.divsi %add3A_33, %div3A_34 : i32
    %while3A_36 = arith.constant 16 : i32
    %while3A_37 = arith.constant 0 : i32
    %while3A_38 = arith.subi %div3A_35, %while3A_37 : i32
    %while3A_39 = arith.addi %while3A_37, %while3A_38 : i32
    %while3A_40 = arith.constant 1 : i32
    %while3A_41 = arith.divsi %while3A_38, %while3A_40 : i32
    %while3A_42 = arith.muli %while3A_41, %while3A_40 : i32
    %while3A_43 = arith.addi %while3A_37, %while3A_42 : i32
    %while3A_44 = arith.constant 1 : i32
    scf.for %while3A_46 = %while3A_37 to %while3A_43 step %while3A_44  : i32 {
      %mul3A_47 = arith.muli %while3A_46, %while3A_36 : i32
      %add3A_48 = arith.addi %arg1, %mul3A_47 : i32
      %mul3A_49 = arith.constant 128 : i32
      %mul3A_50 = arith.muli %add3A_48, %mul3A_49 : i32
      %mul3A_51 = arith.constant 128 : i32
      %mul3A_52 = arith.muli %add3A_48, %mul3A_51 : i32
      "tpu.region"() ({
        %run_scoped3A = tpu.sem_alloc : memref<!tpu.dma_semaphore, #tpu.memory_space<semaphore_mem>>
        %dma_start3A = arith.constant 0 : i32
        %dma_start3A_53 = tpu.memref_slice %arg4[%arg0, %mul3A_52, %dma_start3A] : memref<2x10240x128xf32, #tpu.memory_space<hbm>> -> memref<1x128x128xf32, #tpu.memory_space<hbm>>
        %dma_start3A_54 = tpu.memref_squeeze %dma_start3A_53 : memref<1x128x128xf32, #tpu.memory_space<hbm>> -> memref<128x128xf32, #tpu.memory_space<hbm>>
        %dma_start3A_55 = arith.constant 0 : i32
        %dma_start3A_56 = tpu.memref_slice %arg9[%mul3A_50, %dma_start3A_55] : memref<10240x128xf32, #tpu.memory_space<vmem_shared>> -> memref<128x128xf32, #tpu.memory_space<vmem_shared>>
        tpu.enqueue_dma source(%dma_start3A_56 : memref<128x128xf32, #tpu.memory_space<vmem_shared>>) target(%dma_start3A_54 : memref<128x128xf32, #tpu.memory_space<hbm>>) target_semaphore(%run_scoped3A : memref<!tpu.dma_semaphore, #tpu.memory_space<semaphore_mem>>)
        %dma_wait3A = arith.constant 0 : i32
        %dma_wait3A_57 = tpu.memref_slice %arg4[%arg0, %mul3A_52, %dma_wait3A] : memref<2x10240x128xf32, #tpu.memory_space<hbm>> -> memref<1x128x128xf32, #tpu.memory_space<hbm>>
        %dma_wait3A_58 = tpu.memref_squeeze %dma_wait3A_57 : memref<1x128x128xf32, #tpu.memory_space<hbm>> -> memref<128x128xf32, #tpu.memory_space<hbm>>
        %dma_wait3A_59 = arith.constant 0 : i32
        %dma_wait3A_60 = tpu.memref_slice %arg9[%mul3A_50, %dma_wait3A_59] : memref<10240x128xf32, #tpu.memory_space<vmem_shared>> -> memref<128x128xf32, #tpu.memory_space<vmem_shared>>
        tpu.wait_dma2 semaphore(%run_scoped3A : memref<!tpu.dma_semaphore, #tpu.memory_space<semaphore_mem>>) src(%dma_wait3A_60 : memref<128x128xf32, #tpu.memory_space<vmem_shared>>) dst(%dma_wait3A_58 : memref<128x128xf32, #tpu.memory_space<hbm>>)
        tpu.yield
      }) : () -> ()
    }
    %while3A_45 = arith.constant 1 : i32
    scf.for %while3A_46 = %while3A_43 to %while3A_39 step %while3A_45  : i32 {
      %mul3A_47 = arith.muli %while3A_46, %while3A_36 : i32
      %add3A_48 = arith.addi %arg1, %mul3A_47 : i32
      %mul3A_49 = arith.constant 128 : i32
      %mul3A_50 = arith.muli %add3A_48, %mul3A_49 : i32
      %mul3A_51 = arith.constant 128 : i32
      %mul3A_52 = arith.muli %add3A_48, %mul3A_51 : i32
      "tpu.region"() ({
        %run_scoped3A = tpu.sem_alloc : memref<!tpu.dma_semaphore, #tpu.memory_space<semaphore_mem>>
        %dma_start3A = arith.constant 0 : i32
        %dma_start3A_53 = tpu.memref_slice %arg4[%arg0, %mul3A_52, %dma_start3A] : memref<2x10240x128xf32, #tpu.memory_space<hbm>> -> memref<1x128x128xf32, #tpu.memory_space<hbm>>
        %dma_start3A_54 = tpu.memref_squeeze %dma_start3A_53 : memref<1x128x128xf32, #tpu.memory_space<hbm>> -> memref<128x128xf32, #tpu.memory_space<hbm>>
        %dma_start3A_55 = arith.constant 0 : i32
        %dma_start3A_56 = tpu.memref_slice %arg9[%mul3A_50, %dma_start3A_55] : memref<10240x128xf32, #tpu.memory_space<vmem_shared>> -> memref<128x128xf32, #tpu.memory_space<vmem_shared>>
        tpu.enqueue_dma source(%dma_start3A_56 : memref<128x128xf32, #tpu.memory_space<vmem_shared>>) target(%dma_start3A_54 : memref<128x128xf32, #tpu.memory_space<hbm>>) target_semaphore(%run_scoped3A : memref<!tpu.dma_semaphore, #tpu.memory_space<semaphore_mem>>)
        %dma_wait3A = arith.constant 0 : i32
        %dma_wait3A_57 = tpu.memref_slice %arg4[%arg0, %mul3A_52, %dma_wait3A] : memref<2x10240x128xf32, #tpu.memory_space<hbm>> -> memref<1x128x128xf32, #tpu.memory_space<hbm>>
        %dma_wait3A_58 = tpu.memref_squeeze %dma_wait3A_57 : memref<1x128x128xf32, #tpu.memory_space<hbm>> -> memref<128x128xf32, #tpu.memory_space<hbm>>
        %dma_wait3A_59 = arith.constant 0 : i32
        %dma_wait3A_60 = tpu.memref_slice %arg9[%mul3A_50, %dma_wait3A_59] : memref<10240x128xf32, #tpu.memory_space<vmem_shared>> -> memref<128x128xf32, #tpu.memory_space<vmem_shared>>
        tpu.wait_dma2 semaphore(%run_scoped3A : memref<!tpu.dma_semaphore, #tpu.memory_space<semaphore_mem>>) src(%dma_wait3A_60 : memref<128x128xf32, #tpu.memory_space<vmem_shared>>) dst(%dma_wait3A_58 : memref<128x128xf32, #tpu.memory_space<hbm>>)
        tpu.yield
      }) : () -> ()
    }
    return
  }
}

module attributes {stable_mosaic.version = 14 : i64} {
  func.func @body(%arg0: i32, %arg1: memref<512x32xf32, #tpu.memory_space<vmem>>, %arg2: memref<512x128xf32, #tpu.memory_space<vmem>>, %arg3: memref<512x128xf32, #tpu.memory_space<vmem>>, %arg4: memref<512x1xf32, #tpu.memory_space<vmem>>) attributes {dimension_semantics = [#tpu.dimension_semantics<arbitrary>], iteration_bounds = array<i64: 20>, scalar_prefetch = 0 : i64, scratch_operands = 0 : i64, tpu.core_type = #tpu.core_type<tc>, window_params = [{transform_indices = @transform_0, window_bounds = array<i64: 512, 32>}, {transform_indices = @transform_1, window_bounds = array<i64: 512, 128>}, {transform_indices = @transform_2, window_bounds = array<i64: 512, 128>}, {transform_indices = @transform_3, window_bounds = array<i64: 512, 1>}]} {
    %get3A = arith.constant 0 : index
    %get3A_0 = arith.constant 0 : index
    %get3A_1 = vector.load %arg1[%get3A, %get3A_0] : memref<512x32xf32, #tpu.memory_space<vmem>>, vector<512x32xf32>
    %reduce_sum3A = arith.constant dense<0.000000e+00> : vector<512xf32>
    %reduce_sum3A_2 = vector.multi_reduction <add>, %get3A_1, %reduce_sum3A [1] : vector<512x32xf32> to vector<512xf32>
    %broadcast_in_dim3A = vector.shape_cast %reduce_sum3A_2 : vector<512xf32> to vector<512x1xf32>
    %add3A = arith.constant 1.000000e+00 : f32
    %add3A_3 = vector.broadcast %add3A : f32 to vector<512x1xf32>
    %add3A_4 = arith.addf %broadcast_in_dim3A, %add3A_3 : vector<512x1xf32>
    %get3A_5 = arith.constant 0 : index
    %get3A_6 = arith.constant 0 : index
    %get3A_7 = vector.load %arg2[%get3A_5, %get3A_6] : memref<512x128xf32, #tpu.memory_space<vmem>>, vector<512x128xf32>
    %rsqrt3A = math.rsqrt %add3A_4 : vector<512x1xf32>
    %mul3A = vector.broadcast %rsqrt3A : vector<512x1xf32> to vector<512x128xf32>
    %mul3A_8 = arith.mulf %get3A_7, %mul3A : vector<512x128xf32>
    %swap3A = arith.constant 0 : index
    %swap3A_9 = arith.constant 0 : index
    %swap3A_10 = vector.load %arg3[%swap3A, %swap3A_9] : memref<512x128xf32, #tpu.memory_space<vmem>>, vector<512x128xf32>
    tpu.vector_store %arg3[%swap3A, %swap3A_9], %mul3A_8 {strides = array<i32>} : memref<512x128xf32, #tpu.memory_space<vmem>>, vector<512x128xf32>,
    %swap3A_11 = arith.constant 0 : index
    %swap3A_12 = arith.constant 0 : index
    %swap3A_13 = vector.load %arg4[%swap3A_11, %swap3A_12] : memref<512x1xf32, #tpu.memory_space<vmem>>, vector<512x1xf32>
    tpu.vector_store %arg4[%swap3A_11, %swap3A_12], %add3A_4 {strides = array<i32>} : memref<512x1xf32, #tpu.memory_space<vmem>>, vector<512x1xf32>,
    return
  }
  func.func @transform_0(%arg0: i32) -> (i32, i32) {
    %c0_i32 = arith.constant 0 : i32
    %c0_i32_0 = arith.constant 0 : i32
    return %arg0, %c0_i32 : i32, i32
  }
  func.func @transform_1(%arg0: i32) -> (i32, i32) {
    %c0_i32 = arith.constant 0 : i32
    %c0_i32_0 = arith.constant 0 : i32
    return %arg0, %c0_i32 : i32, i32
  }
  func.func @transform_2(%arg0: i32) -> (i32, i32) {
    %c0_i32 = arith.constant 0 : i32
    %c0_i32_0 = arith.constant 0 : i32
    return %arg0, %c0_i32 : i32, i32
  }
  func.func @transform_3(%arg0: i32) -> (i32, i32) {
    %c0_i32 = arith.constant 0 : i32
    %c0_i32_0 = arith.constant 0 : i32
    return %arg0, %c0_i32 : i32, i32
  }
}

module attributes {stable_mosaic.version = 14 : i64} {
  func.func @body(%arg0: i32, %arg1: memref<2x512x128xf32, #tpu.memory_space<vmem>>, %arg2: memref<512x128xf32, #tpu.memory_space<vmem>>, %arg3: memref<512x1xf32, #tpu.memory_space<vmem>>, %arg4: memref<128x128xf32, #tpu.memory_space<vmem>>, %arg5: memref<1x128xf32, #tpu.memory_space<vmem>>, %arg6: memref<512x128xf32, #tpu.memory_space<vmem>>) attributes {dimension_semantics = [#tpu.dimension_semantics<arbitrary>], iteration_bounds = array<i64: 20>, scalar_prefetch = 0 : i64, scratch_operands = 0 : i64, tpu.core_type = #tpu.core_type<tc>, window_params = [{transform_indices = @transform_0, window_bounds = array<i64: 2, 512, 128>}, {transform_indices = @transform_1, window_bounds = array<i64: 512, 128>}, {transform_indices = @transform_2, window_bounds = array<i64: 512, 1>}, {pipeline_mode = #tpu.pipeline_mode<synchronous>, transform_indices = @transform_3, window_bounds = array<i64: 128, 128>}, {pipeline_mode = #tpu.pipeline_mode<synchronous>, transform_indices = @transform_4, window_bounds = array<i64: 1, 128>}, {transform_indices = @transform_5, window_bounds = array<i64: 512, 128>}]} {
    %get3A = arith.constant 0 : index
    %get3A_0 = arith.constant 0 : index
    %get3A_1 = vector.load %arg3[%get3A, %get3A_0] : memref<512x1xf32, #tpu.memory_space<vmem>>, vector<512x1xf32>
    %rsqrt3A = math.rsqrt %get3A_1 : vector<512x1xf32>
    %get3A_2 = arith.constant 0 : index
    %get3A_3 = arith.constant 0 : index
    %get3A_4 = arith.constant 0 : index
    %get3A_5 = vector.load %arg1[%get3A_2, %get3A_3, %get3A_4] : memref<2x512x128xf32, #tpu.memory_space<vmem>>, vector<1x512x128xf32>
    %get3A_6 = vector.shape_cast %get3A_5 : vector<1x512x128xf32> to vector<512x128xf32>
    %get3A_7 = arith.constant 1 : index
    %get3A_8 = arith.constant 0 : index
    %get3A_9 = arith.constant 0 : index
    %get3A_10 = vector.load %arg1[%get3A_7, %get3A_8, %get3A_9] : memref<2x512x128xf32, #tpu.memory_space<vmem>>, vector<1x512x128xf32>
    %get3A_11 = vector.shape_cast %get3A_10 : vector<1x512x128xf32> to vector<512x128xf32>
    %add3A = arith.addf %get3A_6, %get3A_11 : vector<512x128xf32>
    %mul3A = vector.broadcast %rsqrt3A : vector<512x1xf32> to vector<512x128xf32>
    %mul3A_12 = arith.mulf %add3A, %mul3A : vector<512x128xf32>
    %get3A_13 = arith.constant 0 : index
    %get3A_14 = arith.constant 0 : index
    %get3A_15 = vector.load %arg2[%get3A_13, %get3A_14] : memref<512x128xf32, #tpu.memory_space<vmem>>, vector<512x128xf32>
    %mul3A_16 = arith.mulf %rsqrt3A, %rsqrt3A : vector<512x1xf32>
    %mul3A_17 = vector.broadcast %mul3A_16 : vector<512x1xf32> to vector<512x128xf32>
    %mul3A_18 = arith.mulf %get3A_15, %mul3A_17 : vector<512x128xf32>
    %add3A_19 = arith.addf %mul3A_12, %mul3A_18 : vector<512x128xf32>
    %get3A_20 = arith.constant 0 : index
    %get3A_21 = arith.constant 0 : index
    %get3A_22 = vector.load %arg4[%get3A_20, %get3A_21] : memref<128x128xf32, #tpu.memory_space<vmem>>, vector<128x128xf32>
    %dot_general3A = arith.constant dense<0.000000e+00> : vector<512x128xf32>
    %dot_general3A_23 = tpu.matmul %add3A_19, %get3A_22, %dot_general3A {dimension_numbers = #tpu.dot_dimension_numbers<[1], [0], [0], [1], [0, 0, 1, 1], [], []>, transpose_lhs_hint = false} : vector<512x128xf32>, vector<128x128xf32>, vector<512x128xf32> -> vector<512x128xf32>
    %get3A_24 = arith.constant 0 : index
    %get3A_25 = arith.constant 0 : index
    %get3A_26 = vector.load %arg5[%get3A_24, %get3A_25] : memref<1x128xf32, #tpu.memory_space<vmem>>, vector<1x128xf32>
    %add3A_27 = vector.broadcast %get3A_26 : vector<1x128xf32> to vector<512x128xf32>
    %add3A_28 = arith.addf %dot_general3A_23, %add3A_27 : vector<512x128xf32>
    %swap3A = arith.constant 0 : index
    %swap3A_29 = arith.constant 0 : index
    %swap3A_30 = vector.load %arg6[%swap3A, %swap3A_29] : memref<512x128xf32, #tpu.memory_space<vmem>>, vector<512x128xf32>
    tpu.vector_store %arg6[%swap3A, %swap3A_29], %add3A_28 {strides = array<i32>} : memref<512x128xf32, #tpu.memory_space<vmem>>, vector<512x128xf32>,
    return
  }
  func.func @transform_0(%arg0: i32) -> (i32, i32, i32) {
    %c0_i32 = arith.constant 0 : i32
    %c0_i32_0 = arith.constant 0 : i32
    %c0_i32_1 = arith.constant 0 : i32
    return %c0_i32, %arg0, %c0_i32_0 : i32, i32, i32
  }
  func.func @transform_1(%arg0: i32) -> (i32, i32) {
    %c0_i32 = arith.constant 0 : i32
    %c0_i32_0 = arith.constant 0 : i32
    return %arg0, %c0_i32 : i32, i32
  }
  func.func @transform_2(%arg0: i32) -> (i32, i32) {
    %c0_i32 = arith.constant 0 : i32
    %c0_i32_0 = arith.constant 0 : i32
    return %arg0, %c0_i32 : i32, i32
  }
  func.func @transform_3(%arg0: i32) -> (i32, i32) {
    %c0_i32 = arith.constant 0 : i32
    %c0_i32_0 = arith.constant 0 : i32
    %c0_i32_1 = arith.constant 0 : i32
    return %c0_i32, %c0_i32_0 : i32, i32
  }
  func.func @transform_4(%arg0: i32) -> (i32, i32) {
    %c0_i32 = arith.constant 0 : i32
    %c0_i32_0 = arith.constant 0 : i32
    %c0_i32_1 = arith.constant 0 : i32
    return %c0_i32, %c0_i32_0 : i32, i32
  }
  func.func @transform_5(%arg0: i32) -> (i32, i32) {
    %c0_i32 = arith.constant 0 : i32
    %c0_i32_0 = arith.constant 0 : i32
    return %arg0, %c0_i32 : i32, i32
  }
}

</mosaic_0001>

<sc_bundles>
// kernel: kernel.6.cloned.1.call-start
scs
__scs_entry_jumppad:
0x0: {  	(pc) =	sbr.rel $0x88, $3  }
0x1: {  	(tag) =	ssettag $0x0;
	lr =	simm.s32 $0x1  }
0x2: {  	[smem:$0x3F9D] =	sst lr;
	_ =	strace $0xD0000000  }
0x3: {  	_ = 	snop  }
0x4: {  	_ = 	snop  }
0x5: {  	_ = 	snop  }
0x6: {  	_ = 	snop  }
0x7: {  	_ = 	snop  }
__scs_overlays_trampoline_lowered:
0x8: {  	[smem:$0x3FAC] =	sst s0  }
0x9: {  	[smem:$0x3FAD] =	sst s1  }
0xa: {  	[smem:$0x3FAE] =	sst s2  }
0xb: {  	[smem:$0x3FAF] =	sst s3  }
0xc: {  	[smem:$0x3FB0] =	sst s4  }
0xd: {  	[smem:$0x3FB1] =	sst s5  }
0xe: {  	[smem:$0x3FB2] =	sst s6  }
0xf: {  	[smem:$0x3FB3] =	sst s7  }
0x10: {  	[smem:$0x3FB4] =	sst s8  }
0x11: {  	[smem:$0x3FB5] =	sst s9;
	s0 =	simm.s32 @!p0 $0x0  }
0x12: {  	s1 =	sld [smem:$0x3F9B];
	s0 =	simm.s32 @p0 $0x1  }
0x13: {  	[smem:$0x3FB6] =	sst s0;
	s0 =	simm.s32 @!p1 $0x0  }
0x14: {  	s2 =	sld [smem:$0x3F9A];
	s0 =	simm.s32 @p1 $0x1  }
0x15: {  	[smem:$0x3FB7] =	sst s0;
	s0 =	simm.s32 @!p2 $0x0  }
0x16: {  	s3 =	sld [smem:$0x3FDB];
	s0 =	simm.s32 @p2 $0x1  }
0x17: {  	s4 =	simm.s32 $0x1BF5;
	[smem:$0x3FB9] =	sst s0  }
0x18: {  	s0 =	sld [smem:$0x3F9C];
	_ =	swait.ge [sflag:s4], $0x0  }
0x19: {  	s7 =	sld [smem:$0x3F9D]  }
0x1a: {  	s8 =	sadd.s32 $0xFFFFE003, lr  }
0x1b: {  	s9 =	sadd.s32 $0xFFFFFEF7, lr;
	s5 =	simm.s32 $0xFFFFFFFF;
	p2 =	slt.u32 s8, $0xFFFFF086  }
0x1c: {  	p1 =	slt.u32 s9, $0xF7A;
	s5 =	simm.s32 @!p2 $0x0  }
0x1d: {  	s5 =	simm.s32 @p1 $0x1;
	p0 =	seq.s32 s7, s2  }
0x1e: {  	s7 =	smul.u32 @!p0 $0xF7A, s2;
	p2 =	seq.s32 @!p0 s5, $0x0  }
0x1f: {  	s9 =	smul.u32 $0xF7A, s1;
	s8 =	simm.s32 @!p0 $0x1BF5;
	p2 =	por !p2, p0  }
0x20: {  	[sflag:s8] =	ssyncset.s32 @!p0 $0xFFFFF086;
	s6 =	sadd.s32 @!p0 s3, s7;
	s7 =	simm.s32 @!p0 $0x108  }
0x21: {  	s3 =	sadd.s32 s3, s9;
	s6 =	sadd.s32 @!p0 $0x88, s6;
	s7 =	simm.s32 @p2 $0x1082  }
0x22: {  	[simem:s7], [sflag:s8] =	dma.local @!p0 [hbm:s6], $0xF7A  }
0x23: {  	s9 =	sor.u32 $0xD0000000, s2;
	s6 =	simm.s32 $0x108;
	_ =	swait.ge @!p0 [sflag:s8], $0x0  }
0x24: {  	s3 =	sadd.s32 $0x88, s3;
	s6 =	simm.s32 @!p1 $0x1082;
	[sflag:s4] =	ssyncset.s32 $0xFFFFF086  }
0x25: {  	[simem:s6], [sflag:s4] =	dma.local [hbm:s3], $0xF7A  }
0x26: {  	[smem:$0x3F9D] =	sst s1;
	(tag) =	ssettag s2;
	_ =	strace s9  }
0x27: {  	s1 =	sld [smem:$0x3FAD]  }
0x28: {  	s2 =	sld [smem:$0x3FAE]  }
0x29: {  	s4 =	sld [smem:$0x3FB0]  }
0x2a: {  	p0 =	seq.s32 s5, $0x0;
	s5 =	sld [smem:$0x3FB1]  }
0x2b: {  	s6 =	sld [smem:$0x3FB2]  }
0x2c: {  	s7 =	sld [smem:$0x3FB3]  }
0x2d: {  	s3 =	simm.s32 $0x108;
	s8 =	sld [smem:$0x3FB4]  }
0x2e: {  	s3 =	simm.s32 @!p0 $0x1082;
	s9 =	sld [smem:$0x3FB5]  }
0x2f: {  	lr =	sadd.s32 s0, s3;
	s0 =	sld [smem:$0x3FAC]  }
0x30: {  	s3 =	sld [smem:$0x3FAF]  }
0x31: {  	[smem:$0x3FB8] =	sst s10  }
0x32: {  	s10 =	sld [smem:$0x3FB6];
	_ =	sdelay $0x3  }
0x33: {  	p0 =	seq.s32 s10, $0x1;
	s10 =	sld [smem:$0x3FB8];
	_ =	sdelay $0x3  }
0x34: {  	[smem:$0x3FB8] =	sst s10  }
0x35: {  	s10 =	sld [smem:$0x3FB7];
	_ =	sdelay $0x3  }
0x36: {  	p1 =	seq.s32 s10, $0x1;
	s10 =	sld [smem:$0x3FB8];
	_ =	sdelay $0x3  }
0x37: {  	[smem:$0x3FB8] =	sst s10  }
0x38: {  	s10 =	sld [smem:$0x3FB9]  }
0x39: {  	_ = 	snop;
	(pc) =	sbr.ind lr, $3  }
0x3a: {  	_ = 	snop  }
0x3b: {  	_ = 	snop  }
0x3c: {  	p2 =	seq.s32 s10, $0x1;
	s10 =	sld [smem:$0x3FB8]  }
0x3d: {  	_ =	shalt  }
0x3e: {  	_ =	shalt  }
0x3f: {  	_ =	shalt  }
0x40: {  	_ =	shalt  }
0x41: {  	_ =	shalt  }
0x42: {  	_ =	shalt  }
0x43: {  	_ =	shalt  }
0x44: {  	_ =	shalt  }
0x45: {  	_ =	shalt  }
0x46: {  	_ =	shalt  }
0x47: {  	_ =	shalt  }
0x48: {  	_ =	shalt  }
0x49: {  	_ =	shalt  }
0x4a: {  	_ =	shalt  }
0x4b: {  	_ =	shalt  }
0x4c: {  	_ =	shalt  }
0x4d: {  	_ =	shalt  }
0x4e: {  	_ =	shalt  }
0x4f: {  	_ =	shalt  }
0x50: {  	_ =	shalt  }
0x51: {  	_ =	shalt  }
0x52: {  	_ =	shalt  }
0x53: {  	_ =	shalt  }
0x54: {  	_ =	shalt  }
0x55: {  	_ =	shalt  }
0x56: {  	_ =	shalt  }
0x57: {  	_ =	shalt  }
0x58: {  	_ =	shalt  }
0x59: {  	_ =	shalt  }
0x5a: {  	_ =	shalt  }
0x5b: {  	_ =	shalt  }
0x5c: {  	_ =	shalt  }
0x5d: {  	_ =	shalt  }
0x5e: {  	_ =	shalt  }
0x5f: {  	_ =	shalt  }
0x60: {  	_ =	shalt  }
0x61: {  	_ =	shalt  }
0x62: {  	_ =	shalt  }
0x63: {  	_ =	shalt  }
0x64: {  	_ =	shalt  }
0x65: {  	_ =	shalt  }
0x66: {  	_ =	shalt  }
0x67: {  	_ =	shalt  }
0x68: {  	_ =	shalt  }
0x69: {  	_ =	shalt  }
0x6a: {  	_ =	shalt  }
0x6b: {  	_ =	shalt  }
0x6c: {  	_ =	shalt  }
0x6d: {  	_ =	shalt  }
0x6e: {  	_ =	shalt  }
0x6f: {  	_ =	shalt  }
0x70: {  	_ =	shalt  }
0x71: {  	_ =	shalt  }
0x72: {  	_ =	shalt  }
0x73: {  	_ =	shalt  }
0x74: {  	_ =	shalt  }
0x75: {  	_ =	shalt  }
0x76: {  	_ =	shalt  }
0x77: {  	_ =	shalt  }
0x78: {  	_ =	shalt  }
0x79: {  	_ =	shalt  }
0x7a: {  	_ =	shalt  }
0x7b: {  	_ =	shalt  }
0x7c: {  	_ =	shalt  }
0x7d: {  	_ =	shalt  }
0x7e: {  	_ =	shalt  }
0x7f: {  	_ =	shalt  }
0x80: {  	_ =	shalt  }
0x81: {  	_ =	shalt  }
0x82: {  	_ =	shalt  }
0x83: {  	_ =	shalt  }
0x84: {  	_ =	shalt  }
0x85: {  	_ =	shalt  }
0x86: {  	_ =	shalt  }
0x87: {  	_ =	shalt  }
.Lfunc_end0:
.L_simem_size_0:
called_computation_lowered:
.L_overlay_start_0:
0x88: {  	s2 =	sld [smem:$0x3FD9]  }
0x89: {  	s3 =	sld [smem:$0x3FFE];
	_ =	sdelay $0x1  }
0x8a: {  	s1 =	srdreg.scid  }
0x8b: {  	s0 =	sand.u32 $0x1, s1  }
0x8c: {  	s17 =	sshll.u32 s0, $0xA;
	s2 =	sadd.s32 s3, s2  }
0x8d: {  	s2 =	sadd.s32 s2, s17  }
0x8e: {  	[smem:$0x3FC4] =	sst s2  }
0x8f: {  	_ = 	snop  }
0x90: {  	s2 =	sld [smem:$0x3FD0];
	(tm) =	ssettm $0x1  }
0x91: {  	s18 =	sld [smem:$0x3FFB];
	_ =	sdelay $0x3  }
0x92: {  	_ =	strace s18  }
0x93: {  	s3 =	sld [smem:$0x3FFC];
	_ =	sdelay $0x3  }
0x94: {  	_ =	strace s3  }
0x95: {  	s3 =	sld [smem:$0x3FFD];
	_ =	sdelay $0x3  }
0x96: {  	_ =	strace s3  }
0x97: {  	_ =	strace $0x8FFFFFFF  }
0x98: {  	s19 =	sld [smem:$0x3FDB];
	_ =	sdelay $0x1  }
0x99: {  	s4 =	simm.s32 $_scs_section_size  }
0x9a: {  	s5 =	simm.s32 $_size__tile_overlayer_lowered;
	s6 =	simm.s32 $_tile_overlayer_lowered  }
0x9b: {  	s22 =	simm.s32 $0x1BFF;
	s21 =	sshll.u32 s6, $0x1;
	s3 =	sadd.s32 s4, s19  }
0x9c: {  	s7 =	simm.s32 $0x0;
	s20 =	sshll.u32 s5, $0x1;
	s5 =	sadd.s32 s21, s3  }
0x9d: {  	[timem:s7], [sflag:s22] =	dma.local [hbm:s5], s20  }
0x9e: {  	_ =	swait.ge [sflag:s22], s20  }
0x9f: {  	s4 =	ssub.s32 $0x0, s20;
	[sflag:s22] =	ssyncset.done $0x0  }
0xa0: {  	[sflag:s22] =	ssyncadd.s32 s4;
	_ =	sdelay $0x1  }
0xa1: {  	s23 =	simm.s32 $0x1B8B  }
0xa2: {  	_ =	swait.ge [sflag:s23], $0x1  }
0xa3: {  	[sflag:s23] =	ssyncset.done $0x0  }
0xa4: {  	s25 =	simm.s32 $0x1B8E;
	s24 =	sld [smem:$0x3FFE];
	[sflag:s23] =	ssyncadd.s32 $0xFFFFFFFF  }
0xa5: {  	s26 =	simm.s32 $execute0_lowered;
	[smem:$0x3FD2] =	sst s25  }
0xa6: {  	s5 =	sshll.u32 s26, $0x1;
	_ =	strace $0x80000046;
	[dreg:$0x1] =	wrdreg $0xFFFFFFFF  }
0xa7: {  	s28 =	simm.s32 $_size_execute0_lowered;
	s3 =	sadd.s32 s3, s5;
	[dreg:$0x0] =	wrdreg $0x0  }
0xa8: {  	s5 =	sshll.u32 s28, $0x1;
	[dreg:$0x2] =	wrdreg s3  }
0xa9: {  	[dreg:$0x3] =	wrdreg s5  }
0xaa: {  	[dreg:$0x4] =	wrdreg $0xC0  }
0xab: {  	_ =	task [dreg:s7], $0x5FFFF  }
0xac: {  	[dreg:$0x1] =	wrdreg $0xFFFFFFFF  }
0xad: {  	[dreg:$0x0] =	wrdreg $0x60  }
0xae: {  	[dreg:$0x2] =	wrdreg s24  }
0xaf: {  	[dreg:$0x3] =	wrdreg s2  }
0xb0: {  	[dreg:$0x4] =	wrdreg $0x9  }
0xb1: {  	_ =	task.clear_ibuf [dreg:s7], $0x5FFFF;
	_ =	strace $0x90000046  }
0xb2: {  	s29 =	simm.s32 $0x9;
	_ =	strace $0x80000048  }
0xb3: {  	_ =	swait.ge [sflag:s29], $0x1  }
0xb4: {  	[sflag:s29] =	ssyncadd.s32 $0xFFFFFFFF  }
0xb5: {  	_ =	strace $0x90000048  }
0xb6: {  	_ =	sfence  }
0xb7: {  	s30 =	sld [smem:$0x0];
	_ =	sdelay $0x2  }
0xb8: {  	s31 =	sshll.u32 s1, $0xD;
	s1 =	sshrl.u32 s1, $0x2  }
0xb9: {  	s3 =	sand.u32 $0x4000, s31;
	s1 =	sadd.s32 s1, s30  }
0xba: {  	s0 =	sor.u32 s3, s0;
	s1 =	sshll.u32 s1, $0x11  }
0xbb: {  	s0 =	sor.u32 s1, s0  }
0xbc: {  	s0 =	sadd.s32 $0x8F2B, s0  }
0xbd: {  	[sflag:s0] =	ssyncadd.remote.s32 $0x1  }
0xbe: {  	_ =	sfence.sel $0xFFFF  }
0xbf: {  	[dreg:$0x0] =	wrdreg $0xFFFFFFFF;
	(pc) =	sbr.abs _section_cstart, $3  }
0xc0: {  	[dreg:$0x1] =	wrdreg $0xFFFFFFFF  }
0xc1: {  	_ =	task.clear_ibuf [dreg:s7], $0x2FFFF;
	_ =	strace $0x9FFFFFFF  }
0xc2: {  	(tm) =	ssettm $0x7FFFFFFF  }
0xc3: {  	_ =	shalt  }
tec
execute0_lowered:
.L_overlay_start_1:
0x0: {  	(tag) =	ssettag $0x1  }
0x1: {  	s3 =	rddreg [dreg:$0x0]  }
0x2: {  	s5 =	rddreg [dreg:$0x1]  }
0x3: {  	s2 =	srdreg.scid;
	s1 =	stileid.u32  }
0x4: {  	s0 =	rddreg [dreg:$0x2];
	s10 =	simm.s32 $0x80;
	s11 =	simm.s32 $0x400  }
0x5: {  	s4 =	sand.u32 $0x1, s2;
	s6 =	sshll.u32 s1, $0x1;
	s2 =	simm.s32 $0x0  }
0x6: {  	s7 =	sshrl.u32 s1, $0x2;
	s6 =	sor.u32 s4, s6;
	[smem:$0x7FF] =	sst s2  }
0x7: {  	s7 =	smul.u32 $0x14000, s7;
	s4 =	ssub.s32 $0x2, s4;
	s8 =	sshll.u32 s6, $0x7  }
0x8: {  	s6 =	smul.u32 $0x4E8, s6;
	_ =	strace $0x80000047;
	s9 =	sshrl.u32 s4, $0x1  }
0x9: {  	s8 =	sand.u32 $0x380, s8;
	s31 =	ssub.s32 s4, s9;
	s9 =	simm.s32 $0x4F00  }
0xa: {  	s7 =	sor.u32 s7, s8;
	s6 =	sadd.s32 s6, s3;
	s8 =	simm.s32 $0x2780  }
0xb: {  	s7 =	sshrl.u32 s7, $0x3;
	s3 =	sadd.s32 $0x1200, s6;
	s4 =	sadd.s32 $0xB000, s6  }
0xc: {  	v0 =	vimm.f32 $0.0e+00;
	v1 =	vimm.f32 $1.000000000e+00;
	s6 =	smax.u32 s31, $0x1;
	s5 =	sadd.s32 s5, s7;
	s7 =	simm.s32 $0x1  }
.LBB2_1:
0xd: {  	s12 =	simm.s32 $0x40;
	s13 =	simm.s32 $0x0  }
.LBB2_2:
0xe: {  	p0 =	sne.s32 s12, $0x9FC0;
	[tilespmem:s13+$0x4F00] =	vst v0;
	s13 =	smov.u32 s12;
	s12 =	sadd.s32 $0x40, s12  }
.Ltmp0:
0xf: {  	(pc) =	sbr.rel @p0 .LBB2_2-.Ltmp0, $2  }
0x10: {  	_ =	sdelay $0x2  }
0x11: {  	s13 =	sshra.s32 s13, $0x2  }
0x12: {  	[tilespmem:s13+$0x4F00] =	vst v0;
	s12 =	simm.s32 $0x0  }
0x13: {  	[tilespmem:s12], [sflag:$0x1] =	stream.linear.gather [hbm4b:s3+s12], $0x2740, $0x38;
	[tilespmem:$0x7700] =	vst v63  }
0x14: {  	_ =	swait.ge [sflag:s7], $0x2740  }
0x15: {  	[sflag:s7] =	ssyncset.done $0x0  }
0x16: {  	[sflag:s7] =	ssyncadd.s32 $0xFFFFD8C0  }
0x17: {  	[tilespmem:s8], [sflag:$0x1] =	stream.linear.gather [hbm4b:s4+s12], $0x2740, $0x38;
	[tilespmem:$0x7700] =	vst v63  }
0x18: {  	_ =	swait.ge [sflag:s7], $0x2740  }
0x19: {  	[sflag:s7] =	ssyncset.done $0x0  }
0x1a: {  	s13 =	simm.s32 $0x0;
	[sflag:s7] =	ssyncadd.s32 $0xFFFFD8C0  }
0x1b: {  	s12 =	simm.s32 $0x40;
	v2 =	vld [tilespmem:s13+$0x2780]  }
.LBB2_4:
0x1c: {  	p0 =	sne.s32 s12, $0x9CC0;
	v3 =	vld [tilespmem:s13+$0x0];
	_ =	sdelay $0x4  }
0x1d: {  	vm0 =	vne.s32 v3, v2;
	_ =	sdelay $0x2  }
.Ltmp1:
0x1e: {  	(pc) =	sbr.rel @p0 .LBB2_4-.Ltmp1, $3  }
0x1f: {  	_ =	sdelay $0x1  }
0x20: {  	s13 =	sshra.s32 s12, $0x2;
	[tilespmem:v2+s9+$0x0] =	vst.idx.add.f32.msk vm0, v1  }
0x21: {  	s12 =	sadd.s32 $0x40, s12;
	v2 =	vld [tilespmem:s13+$0x2780]  }
0x22: {  	v3 =	vld [tilespmem:s13+$0x0];
	_ =	sdelay $0x4  }
0x23: {  	vm0 =	vne.s32 v3, v2;
	_ =	sdelay $0x3  }
0x24: {  	s2 =	sadd.s32 $0x1, s2  }
0x25: {  	p0 =	sne.s32 s2, s6  }
.Ltmp2:
0x26: {  	[tilespmem:v2+s9+$0x0] =	vst.idx.add.f32.msk vm0, v1;
	(pc) =	sbr.rel @p0 .LBB2_1-.Ltmp2, $4  }
0x27: {  	[hbm4b:s5+s10] =	stream.strided.scatter [tilespmem:s9], [sflag:$0x1], $0x2800, s11, s10, $0x38;
	[tilespmem:$0x7700] =	vst v63  }
0x28: {  	_ =	swait.ge [sflag:s7], $0x2800  }
0x29: {  	[sflag:s7] =	ssyncset.done $0x0  }
0x2a: {  	[sflag:s7] =	ssyncadd.s32 $0xFFFFD800  }
0x2b: {  	_ =	sfence.sel $0x180000  }
0x2c: {  	[bflag:$0x0] =	sbarrier.arrive $0xFFFF  }
0x2d: {  	p0 =	sne.s32 s1, $0x0;
	_ =	strace $0x90000047  }
0x2e: {  	s0 =	sadd.s32 @!p0 $0x100000, s0;
	[bflag:$0x2] =	sbarrier.arrive $0xFFFF  }
0x2f: {  	[sflag:s0] =	ssyncadd.tile.s32 @!p0 $0x1;
	_ =	shalt  }
.Lfunc_end2:
_tile_overlayer_lowered:
.L_overlay_start_2:
0x30: {  	(tag) =	ssettag $0x2  }
0x31: {  	s0 =	rddreg [dreg:$0x0];
	s2 =	stileid.u32  }
0x32: {  	s1 =	rddreg [dreg:$0x1];
	p0 =	sne.s32 s2, $0x0  }
0x33: {  	s3 =	rddreg [dreg:$0x2];
	[bflag:$0x3] =	sbarrier.arrive $0xFFFF;
	s2 =	simm.s32 @!p0 $0x1C01  }
0x34: {  	[timem:s3], [sflag:s2] =	dma.local @!p0 [hbm:s0], s1  }
0x35: {  	s0 =	simm.s32 @!p0 $0x1  }
0x36: {  	_ =	swait.ge @!p0 [sflag:s0], s1  }
0x37: {  	s1 =	ssub.s32 @!p0 $0x0, s1;
	[sflag:s0] =	ssyncset.done @!p0 $0x0  }
0x38: {  	[sflag:s0] =	ssyncadd.s32 @!p0 s1  }
0x39: {  	[bflag:$0x3] =	sbarrier.arrive $0xFFFF  }
0x3a: {  	_ =	shalt  }

// kernel: kernel.9.cloned.1.call-start
scs
__scs_entry_jumppad:
0x0: {  	(pc) =	sbr.rel $0x88, $3  }
0x1: {  	(tag) =	ssettag $0x0;
	lr =	simm.s32 $0x1  }
0x2: {  	[smem:$0x3F9D] =	sst lr;
	_ =	strace $0xD0000000  }
0x3: {  	_ = 	snop  }
0x4: {  	_ = 	snop  }
0x5: {  	_ = 	snop  }
0x6: {  	_ = 	snop  }
0x7: {  	_ = 	snop  }
__scs_overlays_trampoline_lowered:
0x8: {  	[smem:$0x3FAC] =	sst s0  }
0x9: {  	[smem:$0x3FAD] =	sst s1  }
0xa: {  	[smem:$0x3FAE] =	sst s2  }
0xb: {  	[smem:$0x3FAF] =	sst s3  }
0xc: {  	[smem:$0x3FB0] =	sst s4  }
0xd: {  	[smem:$0x3FB1] =	sst s5  }
0xe: {  	[smem:$0x3FB2] =	sst s6  }
0xf: {  	[smem:$0x3FB3] =	sst s7  }
0x10: {  	[smem:$0x3FB4] =	sst s8  }
0x11: {  	[smem:$0x3FB5] =	sst s9;
	s0 =	simm.s32 @!p0 $0x0  }
0x12: {  	s1 =	sld [smem:$0x3F9B];
	s0 =	simm.s32 @p0 $0x1  }
0x13: {  	[smem:$0x3FB6] =	sst s0;
	s0 =	simm.s32 @!p1 $0x0  }
0x14: {  	s2 =	sld [smem:$0x3F9A];
	s0 =	simm.s32 @p1 $0x1  }
0x15: {  	[smem:$0x3FB7] =	sst s0;
	s0 =	simm.s32 @!p2 $0x0  }
0x16: {  	s3 =	sld [smem:$0x3FDB];
	s0 =	simm.s32 @p2 $0x1  }
0x17: {  	s4 =	simm.s32 $0x1BF5;
	[smem:$0x3FB9] =	sst s0  }
0x18: {  	s0 =	sld [smem:$0x3F9C];
	_ =	swait.ge [sflag:s4], $0x0  }
0x19: {  	s7 =	sld [smem:$0x3F9D]  }
0x1a: {  	s8 =	sadd.s32 $0xFFFFE003, lr  }
0x1b: {  	s9 =	sadd.s32 $0xFFFFFEF7, lr;
	s5 =	simm.s32 $0xFFFFFFFF;
	p2 =	slt.u32 s8, $0xFFFFF086  }
0x1c: {  	p1 =	slt.u32 s9, $0xF7A;
	s5 =	simm.s32 @!p2 $0x0  }
0x1d: {  	s5 =	simm.s32 @p1 $0x1;
	p0 =	seq.s32 s7, s2  }
0x1e: {  	s7 =	smul.u32 @!p0 $0xF7A, s2;
	p2 =	seq.s32 @!p0 s5, $0x0  }
0x1f: {  	s9 =	smul.u32 $0xF7A, s1;
	s8 =	simm.s32 @!p0 $0x1BF5;
	p2 =	por !p2, p0  }
0x20: {  	[sflag:s8] =	ssyncset.s32 @!p0 $0xFFFFF086;
	s6 =	sadd.s32 @!p0 s3, s7;
	s7 =	simm.s32 @!p0 $0x108  }
0x21: {  	s3 =	sadd.s32 s3, s9;
	s6 =	sadd.s32 @!p0 $0x88, s6;
	s7 =	simm.s32 @p2 $0x1082  }
0x22: {  	[simem:s7], [sflag:s8] =	dma.local @!p0 [hbm:s6], $0xF7A  }
0x23: {  	s9 =	sor.u32 $0xD0000000, s2;
	s6 =	simm.s32 $0x108;
	_ =	swait.ge @!p0 [sflag:s8], $0x0  }
0x24: {  	s3 =	sadd.s32 $0x88, s3;
	s6 =	simm.s32 @!p1 $0x1082;
	[sflag:s4] =	ssyncset.s32 $0xFFFFF086  }
0x25: {  	[simem:s6], [sflag:s4] =	dma.local [hbm:s3], $0xF7A  }
0x26: {  	[smem:$0x3F9D] =	sst s1;
	(tag) =	ssettag s2;
	_ =	strace s9  }
0x27: {  	s1 =	sld [smem:$0x3FAD]  }
0x28: {  	s2 =	sld [smem:$0x3FAE]  }
0x29: {  	s4 =	sld [smem:$0x3FB0]  }
0x2a: {  	p0 =	seq.s32 s5, $0x0;
	s5 =	sld [smem:$0x3FB1]  }
0x2b: {  	s6 =	sld [smem:$0x3FB2]  }
0x2c: {  	s7 =	sld [smem:$0x3FB3]  }
0x2d: {  	s3 =	simm.s32 $0x108;
	s8 =	sld [smem:$0x3FB4]  }
0x2e: {  	s3 =	simm.s32 @!p0 $0x1082;
	s9 =	sld [smem:$0x3FB5]  }
0x2f: {  	lr =	sadd.s32 s0, s3;
	s0 =	sld [smem:$0x3FAC]  }
0x30: {  	s3 =	sld [smem:$0x3FAF]  }
0x31: {  	[smem:$0x3FB8] =	sst s10  }
0x32: {  	s10 =	sld [smem:$0x3FB6];
	_ =	sdelay $0x3  }
0x33: {  	p0 =	seq.s32 s10, $0x1;
	s10 =	sld [smem:$0x3FB8];
	_ =	sdelay $0x3  }
0x34: {  	[smem:$0x3FB8] =	sst s10  }
0x35: {  	s10 =	sld [smem:$0x3FB7];
	_ =	sdelay $0x3  }
0x36: {  	p1 =	seq.s32 s10, $0x1;
	s10 =	sld [smem:$0x3FB8];
	_ =	sdelay $0x3  }
0x37: {  	[smem:$0x3FB8] =	sst s10  }
0x38: {  	s10 =	sld [smem:$0x3FB9]  }
0x39: {  	_ = 	snop;
	(pc) =	sbr.ind lr, $3  }
0x3a: {  	_ = 	snop  }
0x3b: {  	_ = 	snop  }
0x3c: {  	p2 =	seq.s32 s10, $0x1;
	s10 =	sld [smem:$0x3FB8]  }
0x3d: {  	_ =	shalt  }
0x3e: {  	_ =	shalt  }
0x3f: {  	_ =	shalt  }
0x40: {  	_ =	shalt  }
0x41: {  	_ =	shalt  }
0x42: {  	_ =	shalt  }
0x43: {  	_ =	shalt  }
0x44: {  	_ =	shalt  }
0x45: {  	_ =	shalt  }
0x46: {  	_ =	shalt  }
0x47: {  	_ =	shalt  }
0x48: {  	_ =	shalt  }
0x49: {  	_ =	shalt  }
0x4a: {  	_ =	shalt  }
0x4b: {  	_ =	shalt  }
0x4c: {  	_ =	shalt  }
0x4d: {  	_ =	shalt  }
0x4e: {  	_ =	shalt  }
0x4f: {  	_ =	shalt  }
0x50: {  	_ =	shalt  }
0x51: {  	_ =	shalt  }
0x52: {  	_ =	shalt  }
0x53: {  	_ =	shalt  }
0x54: {  	_ =	shalt  }
0x55: {  	_ =	shalt  }
0x56: {  	_ =	shalt  }
0x57: {  	_ =	shalt  }
0x58: {  	_ =	shalt  }
0x59: {  	_ =	shalt  }
0x5a: {  	_ =	shalt  }
0x5b: {  	_ =	shalt  }
0x5c: {  	_ =	shalt  }
0x5d: {  	_ =	shalt  }
0x5e: {  	_ =	shalt  }
0x5f: {  	_ =	shalt  }
0x60: {  	_ =	shalt  }
0x61: {  	_ =	shalt  }
0x62: {  	_ =	shalt  }
0x63: {  	_ =	shalt  }
0x64: {  	_ =	shalt  }
0x65: {  	_ =	shalt  }
0x66: {  	_ =	shalt  }
0x67: {  	_ =	shalt  }
0x68: {  	_ =	shalt  }
0x69: {  	_ =	shalt  }
0x6a: {  	_ =	shalt  }
0x6b: {  	_ =	shalt  }
0x6c: {  	_ =	shalt  }
0x6d: {  	_ =	shalt  }
0x6e: {  	_ =	shalt  }
0x6f: {  	_ =	shalt  }
0x70: {  	_ =	shalt  }
0x71: {  	_ =	shalt  }
0x72: {  	_ =	shalt  }
0x73: {  	_ =	shalt  }
0x74: {  	_ =	shalt  }
0x75: {  	_ =	shalt  }
0x76: {  	_ =	shalt  }
0x77: {  	_ =	shalt  }
0x78: {  	_ =	shalt  }
0x79: {  	_ =	shalt  }
0x7a: {  	_ =	shalt  }
0x7b: {  	_ =	shalt  }
0x7c: {  	_ =	shalt  }
0x7d: {  	_ =	shalt  }
0x7e: {  	_ =	shalt  }
0x7f: {  	_ =	shalt  }
0x80: {  	_ =	shalt  }
0x81: {  	_ =	shalt  }
0x82: {  	_ =	shalt  }
0x83: {  	_ =	shalt  }
0x84: {  	_ =	shalt  }
0x85: {  	_ =	shalt  }
0x86: {  	_ =	shalt  }
0x87: {  	_ =	shalt  }
.Lfunc_end0:
.L_simem_size_0:
called_computation.1_lowered:
.L_overlay_start_0:
0x88: {  	s2 =	sld [smem:$0x3FD9]  }
0x89: {  	s3 =	sld [smem:$0x3FFE];
	_ =	sdelay $0x1  }
0x8a: {  	s1 =	srdreg.scid  }
0x8b: {  	s0 =	sand.u32 $0x1, s1  }
0x8c: {  	s16 =	sshll.u32 s0, $0xA;
	s2 =	sadd.s32 s3, s2  }
0x8d: {  	s2 =	sadd.s32 s2, s16  }
0x8e: {  	[smem:$0x3FC4] =	sst s2  }
0x8f: {  	_ = 	snop  }
0x90: {  	(tm) =	ssettm $0x1  }
0x91: {  	s17 =	sld [smem:$0x3FFB];
	_ =	sdelay $0x3  }
0x92: {  	_ =	strace s17  }
0x93: {  	s2 =	sld [smem:$0x3FFC];
	_ =	sdelay $0x3  }
0x94: {  	_ =	strace s2  }
0x95: {  	s2 =	sld [smem:$0x3FFD];
	_ =	sdelay $0x3  }
0x96: {  	_ =	strace s2  }
0x97: {  	_ =	strace $0x8FFFFFFF  }
0x98: {  	s18 =	sld [smem:$0x3FDB];
	_ =	sdelay $0x1  }
0x99: {  	s19 =	simm.s32 $_scs_section_size  }
0x9a: {  	s4 =	simm.s32 $_size__tile_overlayer_lowered;
	s5 =	simm.s32 $_tile_overlayer_lowered  }
0x9b: {  	s22 =	simm.s32 $0x1BFF;
	s21 =	sshll.u32 s5, $0x1;
	s2 =	sadd.s32 s19, s18  }
0x9c: {  	s6 =	simm.s32 $0x0;
	s20 =	sshll.u32 s4, $0x1;
	s4 =	sadd.s32 s21, s2  }
0x9d: {  	[timem:s6], [sflag:s22] =	dma.local [hbm:s4], s20  }
0x9e: {  	_ =	swait.ge [sflag:s22], s20  }
0x9f: {  	s3 =	ssub.s32 $0x0, s20;
	[sflag:s22] =	ssyncset.done $0x0  }
0xa0: {  	[sflag:s22] =	ssyncadd.s32 s3;
	_ =	sdelay $0x1  }
0xa1: {  	s23 =	simm.s32 $0x1B8B  }
0xa2: {  	_ =	swait.ge [sflag:s23], $0x1  }
0xa3: {  	[sflag:s23] =	ssyncset.done $0x0  }
0xa4: {  	s25 =	simm.s32 $0x1B8E;
	s24 =	sld [smem:$0x3FFE];
	[sflag:s23] =	ssyncadd.s32 $0xFFFFFFFF  }
0xa5: {  	s26 =	simm.s32 $execute0_lowered;
	[smem:$0x3FD2] =	sst s25  }
0xa6: {  	s4 =	sshll.u32 s26, $0x1;
	_ =	strace $0x80000049;
	[dreg:$0x1] =	wrdreg $0xFFFFFFFF  }
0xa7: {  	s28 =	simm.s32 $_size_execute0_lowered;
	s2 =	sadd.s32 s2, s4;
	[dreg:$0x0] =	wrdreg $0x0  }
0xa8: {  	s4 =	sshll.u32 s28, $0x1;
	[dreg:$0x2] =	wrdreg s2  }
0xa9: {  	[dreg:$0x3] =	wrdreg s4  }
0xaa: {  	[dreg:$0x4] =	wrdreg $0xC0  }
0xab: {  	_ =	task [dreg:s6], $0x5FFFF  }
0xac: {  	[dreg:$0x1] =	wrdreg $0xFFFFFFFF  }
0xad: {  	[dreg:$0x0] =	wrdreg $0x60  }
0xae: {  	[dreg:$0x2] =	wrdreg s24  }
0xaf: {  	[dreg:$0x3] =	wrdreg $0x41800  }
0xb0: {  	[dreg:$0x4] =	wrdreg $0x9  }
0xb1: {  	_ =	task.clear_ibuf [dreg:s6], $0x5FFFF;
	_ =	strace $0x90000049  }
0xb2: {  	s29 =	simm.s32 $0x9;
	_ =	strace $0x8000004B  }
0xb3: {  	_ =	swait.ge [sflag:s29], $0x1  }
0xb4: {  	[sflag:s29] =	ssyncadd.s32 $0xFFFFFFFF  }
0xb5: {  	_ =	strace $0x9000004B  }
0xb6: {  	_ =	sfence  }
0xb7: {  	s30 =	sld [smem:$0x0];
	_ =	sdelay $0x2  }
0xb8: {  	s31 =	sshll.u32 s1, $0xD;
	s1 =	sshrl.u32 s1, $0x2  }
0xb9: {  	s3 =	sand.u32 $0x4000, s31;
	s1 =	sadd.s32 s1, s30  }
0xba: {  	s0 =	sor.u32 s3, s0;
	s1 =	sshll.u32 s1, $0x11  }
0xbb: {  	s0 =	sor.u32 s1, s0  }
0xbc: {  	s0 =	sadd.s32 $0x8F2B, s0  }
0xbd: {  	[sflag:s0] =	ssyncadd.remote.s32 $0x1  }
0xbe: {  	_ =	sfence.sel $0xFFFF  }
0xbf: {  	[dreg:$0x0] =	wrdreg $0xFFFFFFFF;
	(pc) =	sbr.abs _section_cstart, $3  }
0xc0: {  	[dreg:$0x1] =	wrdreg $0xFFFFFFFF  }
0xc1: {  	_ =	task.clear_ibuf [dreg:s6], $0x2FFFF;
	_ =	strace $0x9FFFFFFF  }
0xc2: {  	(tm) =	ssettm $0x7FFFFFFF  }
0xc3: {  	_ =	shalt  }
tec
execute0_lowered:
.L_overlay_start_1:
0x0: {  	(tag) =	ssettag $0x1  }
0x1: {  	s5 =	rddreg [dreg:$0x0]  }
0x2: {  	s1 =	rddreg [dreg:$0x1]  }
0x3: {  	s0 =	rddreg [dreg:$0x2]  }
0x4: {  	s2 =	simm.s32 $0x0;
	s3 =	srdreg.scid;
	s21 =	simm.s32 $0x1  }
0x5: {  	s28 =	simm.s32 $0x0;
	[smem:$0x7FF] =	sst s2;
	s6 =	sand.u32 $0x1, s3  }
0x6: {  	s4 =	sadd.s32 $0x1EC00, s5;
	s3 =	stileid.u32;
	s16 =	sadd.s32 $0x14E00, s5  }
0x7: {  	s17 =	sadd.s32 $0x46C00, s5;
	_ =	strace $0x8000004A;
	s15 =	smul.u32 $0x140000, s6  }
0x8: {  	s7 =	ssub.s32 $0x2, s6;
	s14 =	sshll.u32 s3, $0xE;
	s29 =	smul.u32 $0x3C0, s3  }
0x9: {  	p0 =	seq.s32 s6, $0x1;
	s30 =	smul.u32 $0x610, s3;
	s23 =	sshrl.u32 s7, $0x1  }
0xa: {  	s5 =	sadd.s32 s14, s1;
	s13 =	sor.u32 $0x40000, s14;
	s18 =	sor.u32 $0x80000, s14  }
0xb: {  	s20 =	sor.u32 $0xC0000, s14;
	s26 =	sor.u32 $0x100000, s14;
	s8 =	sor.u32 s15, s14  }
0xc: {  	s7 =	ssub.s32 s7, s23;
	s9 =	sadd.s32 $0x80000, s5;
	s10 =	sadd.s32 $0xC0000, s5  }
0xd: {  	s12 =	sadd.s32 s15, s13;
	s11 =	sadd.s32 $0x100000, s5;
	s19 =	sadd.s32 s15, s18  }
0xe: {  	s22 =	sadd.s32 s13, s1;
	s24 =	sadd.s32 s15, s20;
	s23 =	sadd.s32 s18, s1  }
0xf: {  	s15 =	sadd.s32 s15, s26;
	s31 =	sadd.s32 s29, s16;
	s16 =	sadd.s32 s30, s16  }
0x10: {  	s18 =	simm.s32 $0x180;
	s8 =	sshrl.u32 s8, $0x3;
	s7 =	smax.u32 s7, $0x1  }
0x11: {  	s12 =	sshrl.u32 s12, $0x3;
	s19 =	sshrl.u32 s19, $0x3;
	s25 =	sshrl.u32 s24, $0x3  }
0x12: {  	s24 =	sadd.s32 s20, s1;
	s15 =	sshrl.u32 s15, $0x3;
	s20 =	simm.s32 $0x80  }
.Ltmp0:
0x13: {  	s22 =	sshrl.u32 s22, $0x3;
	s23 =	sshrl.u32 s23, $0x3;
	(pc) =	sbr.rel .LBB2_1-.Ltmp0, $4  }
0x14: {  	s6 =	sadd.s32 s17, s8;
	s8 =	sadd.s32 $0x40000, s5;
	s12 =	sadd.s32 s17, s12  }
0x15: {  	s13 =	sadd.s32 s17, s19;
	s14 =	sadd.s32 s17, s25;
	s15 =	sadd.s32 s17, s15  }
0x16: {  	s25 =	sadd.s32 s26, s1;
	s17 =	sadd.s32 $0x6100, s31;
	s19 =	simm.s32 $0x2  }
0x17: {  	v0 =	vimm.f32 $0.0e+00;
	s24 =	sshrl.u32 s24, $0x3;
	s26 =	simm.s32 $0x100;
	s25 =	sshrl.u32 s25, $0x3  }
.LBB2_6:
0x18: {  	[tilespmem:$0xD0] =	vst v6  }
0x19: {  	[tilespmem:$0xB0] =	vst v1  }
0x1a: {  	[tilespmem:$0x130] =	vst v4  }
0x1b: {  	vm0 =	veq.s32 v6, v5;
	[tilespmem:$0x110] =	vst v2  }
0x1c: {  	[tilespmem:$0x140] =	vst v3;
	v1 =	vsel vm0, $0x2710, v5  }
0x1d: {  	[tilespmem:$0x150] =	vst v1  }
0x1e: {  	[tilespmem:s18], [sflag:$0x1] =	stream.indirect.gather [hbm4b:s4+s20], $0x80, s20, s20, $0xb8;
	[tilespmem:$0x18180] =	vst v63  }
0x1f: {  	_ =	swait.ge [sflag:s21], $0x4000  }
0x20: {  	[sflag:s21] =	ssyncset.done $0x0  }
0x21: {  	[sflag:s21] =	ssyncadd.s32 $0xFFFFC000  }
0x22: {  	[spmem:s1] =	stream.indirect.scatter.add.f32 [tilespmem:s18], [sflag:$0x2], $0x80, s26, s20, $0xb8;
	[tilespmem:$0x18180] =	vst v63  }
0x23: {  	_ =	swait.ge [sflag:s19], $0x4000  }
0x24: {  	[sflag:s19] =	ssyncset.done $0x0  }
0x25: {  	[sflag:s19] =	ssyncadd.s32 $0xFFFFC000  }
.LBB2_10:
0x26: {  	s29 =	sshll.u32 s3, $0x6  }
0x27: {  	[bflag:$0x0] =	sbarrier.arrive $0xFFFF;
	s30 =	sshrl.u32 s5, $0x3;
	s29 =	sor.u32 $0x1C02, s29  }
0x28: {  	[hbm:s6], [sflag:s29] =	dma.local [spmem:s30], $0x800  }
0x29: {  	_ =	swait.ge [sflag:s19], $0x800  }
0x2a: {  	[sflag:s19] =	ssyncset.done $0x0  }
0x2b: {  	[sflag:s19] =	ssyncadd.s32 $0xFFFFF800  }
0x2c: {  	[hbm:s12], [sflag:s29] =	dma.local [spmem:s22], $0x800  }
0x2d: {  	_ =	swait.ge [sflag:s19], $0x800  }
0x2e: {  	[sflag:s19] =	ssyncset.done $0x0  }
0x2f: {  	[sflag:s19] =	ssyncadd.s32 $0xFFFFF800  }
0x30: {  	[hbm:s13], [sflag:s29] =	dma.local [spmem:s23], $0x800  }
0x31: {  	_ =	swait.ge [sflag:s19], $0x800  }
0x32: {  	[sflag:s19] =	ssyncset.done $0x0  }
0x33: {  	[sflag:s19] =	ssyncadd.s32 $0xFFFFF800  }
0x34: {  	[hbm:s14], [sflag:s29] =	dma.local [spmem:s24], $0x800  }
0x35: {  	s28 =	sadd.s32 $0x1, s28;
	_ =	swait.ge [sflag:s19], $0x800  }
0x36: {  	p1 =	sne.s32 s28, s7;
	[sflag:s19] =	ssyncset.done $0x0  }
.Ltmp1:
0x37: {  	[sflag:s19] =	ssyncadd.s32 $0xFFFFF800;
	(pc) =	sbr.rel @!p1 .LBB2_11-.Ltmp1, $4  }
0x38: {  	[hbm:s15], [sflag:s29] =	dma.local [spmem:s25], $0x800  }
0x39: {  	_ =	swait.ge [sflag:s19], $0x800  }
0x3a: {  	[sflag:s19] =	ssyncset.done $0x0  }
0x3b: {  	[sflag:s19] =	ssyncadd.s32 $0xFFFFF800  }
.LBB2_1:
0x3c: {  	s29 =	simm.s32 $0x0;
	s30 =	simm.s32 $0x200  }
.LBB2_2:
0x3d: {  	p1 =	sne.s32 s30, $0xFE00;
	[tilespmem:s29+$0x1F0] =	vst v0  }
0x3e: {  	[tilespmem:s29+$0x180] =	vst v0  }
0x3f: {  	[tilespmem:s29+$0x190] =	vst v0  }
.Ltmp2:
0x40: {  	[tilespmem:s29+$0x1A0] =	vst v0;
	(pc) =	sbr.rel @p1 .LBB2_2-.Ltmp2, $4  }
0x41: {  	[tilespmem:s29+$0x1B0] =	vst v0  }
0x42: {  	[tilespmem:s29+$0x1C0] =	vst v0  }
0x43: {  	[tilespmem:s29+$0x1D0] =	vst v0  }
0x44: {  	[tilespmem:s29+$0x1E0] =	vst v0;
	s29 =	sshra.s32 s30, $0x2;
	s30 =	sadd.s32 $0x200, s30  }
0x45: {  	[tilespmem:s29+$0x1F0] =	vst v0  }
0x46: {  	[tilespmem:s29+$0x180] =	vst v0  }
0x47: {  	[tilespmem:s29+$0x190] =	vst v0  }
0x48: {  	[tilespmem:s29+$0x1A0] =	vst v0  }
0x49: {  	[tilespmem:s29+$0x1B0] =	vst v0  }
0x4a: {  	[tilespmem:s29+$0x1C0] =	vst v0  }
0x4b: {  	[tilespmem:s29+$0x1D0] =	vst v0  }
0x4c: {  	[tilespmem:s29+$0x1E0] =	vst v0  }
0x4d: {  	[spmem:s5] =	stream.linear.scatter [tilespmem:s18], [sflag:$0x2], $0x4000, $0x38;
	[tilespmem:$0x18180] =	vst v63  }
0x4e: {  	_ =	swait.ge [sflag:s19], $0x4000  }
0x4f: {  	[sflag:s19] =	ssyncset.done $0x0  }
0x50: {  	[sflag:s19] =	ssyncadd.s32 $0xFFFFC000  }
0x51: {  	[spmem:s8] =	stream.linear.scatter [tilespmem:s18], [sflag:$0x2], $0x4000, $0x38;
	[tilespmem:$0x18180] =	vst v63  }
0x52: {  	_ =	swait.ge [sflag:s19], $0x4000  }
0x53: {  	[sflag:s19] =	ssyncset.done $0x0  }
0x54: {  	[sflag:s19] =	ssyncadd.s32 $0xFFFFC000  }
0x55: {  	[spmem:s9] =	stream.linear.scatter [tilespmem:s18], [sflag:$0x2], $0x4000, $0x38;
	[tilespmem:$0x18180] =	vst v63  }
0x56: {  	_ =	swait.ge [sflag:s19], $0x4000  }
0x57: {  	[sflag:s19] =	ssyncset.done $0x0  }
0x58: {  	[sflag:s19] =	ssyncadd.s32 $0xFFFFC000  }
0x59: {  	[spmem:s10] =	stream.linear.scatter [tilespmem:s18], [sflag:$0x2], $0x4000, $0x38;
	[tilespmem:$0x18180] =	vst v63  }
0x5a: {  	_ =	swait.ge [sflag:s19], $0x4000  }
0x5b: {  	[sflag:s19] =	ssyncset.done $0x0  }
0x5c: {  	[sflag:s19] =	ssyncadd.s32 $0xFFFFC000  }
0x5d: {  	[spmem:s11] =	stream.linear.scatter [tilespmem:s18], [sflag:$0x2], $0x4000, $0x38;
	[tilespmem:$0x18180] =	vst v63  }
.Ltmp3:
0x5e: {  	_ =	swait.ge [sflag:s19], $0x4000;
	(pc) =	sbr.rel @!p0 .LBB2_4-.Ltmp3, $3  }
0x5f: {  	[sflag:s19] =	ssyncset.done $0x0  }
0x60: {  	[sflag:s19] =	ssyncadd.s32 $0xFFFFC000  }
0x61: {  	[bflag:$0x0] =	sbarrier.arrive $0xFFFF;
	_ =	sdelay $0x1  }
0x62: {  	s29 =	sadd.s32 $0x0, s17  }
0x63: {  	[tilespmem:s2], [sflag:$0x2] =	stream.linear.gather [hbm4b:s29+s2], $0x80, $0x38;
	[tilespmem:$0x18180] =	vst v63  }
0x64: {  	_ =	swait.ge [sflag:s19], $0x80  }
0x65: {  	[sflag:s19] =	ssyncset.done $0x0  }
0x66: {  	[sflag:s19] =	ssyncadd.s32 $0xFFFFFF80  }
0x67: {  	v1 =	vld [tilespmem:$0x70]  }
0x68: {  	v2 =	vld [tilespmem:$0x60]  }
0x69: {  	v3 =	vld [tilespmem:$0x20];
	_ =	sdelay $0x1  }
0x6a: {  	v4 =	vld [tilespmem:$0x0]  }
0x6b: {  	v5 =	vld [tilespmem:$0x10];
	v6 =	vand.u32 $0xFFFF, v1;
	v1 =	vshra.s32 v1, $0x10  }
0x6c: {  	v7 =	vld [tilespmem:$0x30];
	v8 =	vand.u32 $0xFFFF, v2;
	v2 =	vshra.s32 v2, $0x10;
	[tilespmem:$0xF0] =	vst v6;
	vm0 =	veq.s32 v6, v1  }
0x6d: {  	v9 =	vld [tilespmem:$0x50];
	[tilespmem:$0xE0] =	vst v8;
	vm1 =	veq.s32 v8, v2;
	v8 =	vshra.s32 v3, $0x10;
	v3 =	vand.u32 $0xFFFF, v3  }
0x6e: {  	v6 =	vld [tilespmem:$0x40];
	v1 =	vsel vm0, $0x2710, v1;
	[tilespmem:$0xA0] =	vst v3  }
0x6f: {  	v2 =	vsel vm1, $0x2710, v2;
	vm13 =	veq.s32 v3, v8;
	[tilespmem:$0x170] =	vst v1;
	v1 =	vshra.s32 v4, $0x10  }
0x70: {  	v4 =	vand.u32 $0xFFFF, v4;
	[tilespmem:$0x160] =	vst v2;
	v2 =	vshra.s32 v5, $0x10;
	v5 =	vand.u32 $0xFFFF, v5  }
0x71: {  	v3 =	vsel vm13, $0x2710, v8;
	[tilespmem:$0x80] =	vst v4;
	vm12 =	veq.s32 v4, v1;
	v4 =	vshra.s32 v7, $0x10  }
0x72: {  	[tilespmem:$0x90] =	vst v5;
	vm14 =	veq.s32 v5, v2;
	v5 =	vshra.s32 v9, $0x10;
	v10 =	vsel vm12, $0x2710, v1  }
0x73: {  	[tilespmem:$0x120] =	vst v3;
	v1 =	vand.u32 $0xFFFF, v7;
	v7 =	vand.u32 $0xFFFF, v6;
	v6 =	vshra.s32 v6, $0x10  }
0x74: {  	v2 =	vsel vm14, $0x2710, v2;
	vm15 =	veq.s32 v1, v4;
	[tilespmem:$0x100] =	vst v10;
	vm2 =	veq.s32 v7, v6  }
0x75: {  	s29 =	simm.s32 $0x10;
	v4 =	vsel vm15, $0x2710, v4;
	[tilespmem:$0xC0] =	vst v7;
	v3 =	vsel vm2, $0x2710, v6;
	v6 =	vand.u32 $0xFFFF, v9  }
.LBB2_8:
0x76: {  	p1 =	sne.s32 s29, $0x3B0;
	[tilespmem:$0xD0] =	vst v6;
	vm0 =	veq.s32 v6, v5;
	s30 =	smov.u32 s29;
	s29 =	sadd.s32 $0x10, s29  }
0x77: {  	[tilespmem:$0xB0] =	vst v1;
	v1 =	vsel vm0, $0x2710, v5  }
0x78: {  	[tilespmem:$0x130] =	vst v4  }
0x79: {  	[tilespmem:$0x150] =	vst v1  }
0x7a: {  	[tilespmem:$0x110] =	vst v2  }
0x7b: {  	[tilespmem:$0x140] =	vst v3  }
0x7c: {  	[tilespmem:s18], [sflag:$0x1] =	stream.indirect.gather [hbm4b:s4+s20], $0x80, s20, s20, $0xb8;
	[tilespmem:$0x18180] =	vst v63  }
0x7d: {  	_ =	swait.ge [sflag:s21], $0x4000  }
0x7e: {  	[sflag:s21] =	ssyncset.done $0x0  }
0x7f: {  	[sflag:s21] =	ssyncadd.s32 $0xFFFFC000  }
0x80: {  	[spmem:s1] =	stream.indirect.scatter.add.f32 [tilespmem:s18], [sflag:$0x2], $0x80, s26, s20, $0xb8;
	[tilespmem:$0x18180] =	vst v63  }
0x81: {  	_ =	swait.ge [sflag:s19], $0x4000  }
0x82: {  	[sflag:s19] =	ssyncset.done $0x0  }
0x83: {  	s30 =	sadd.s32 s30, s17;
	[sflag:s19] =	ssyncadd.s32 $0xFFFFC000  }
0x84: {  	[tilespmem:s2], [sflag:$0x2] =	stream.linear.gather [hbm4b:s30+s2], $0x80, $0x38;
	[tilespmem:$0x18180] =	vst v63  }
0x85: {  	_ =	swait.ge [sflag:s19], $0x80  }
0x86: {  	[sflag:s19] =	ssyncset.done $0x0  }
0x87: {  	[sflag:s19] =	ssyncadd.s32 $0xFFFFFF80  }
0x88: {  	v1 =	vld [tilespmem:$0x70]  }
0x89: {  	v2 =	vld [tilespmem:$0x60]  }
0x8a: {  	v3 =	vld [tilespmem:$0x20]  }
0x8b: {  	v4 =	vld [tilespmem:$0x0]  }
0x8c: {  	v5 =	vld [tilespmem:$0x10]  }
0x8d: {  	v6 =	vld [tilespmem:$0x30];
	v7 =	vand.u32 $0xFFFF, v1;
	v1 =	vshra.s32 v1, $0x10  }
0x8e: {  	v8 =	vld [tilespmem:$0x40];
	v9 =	vand.u32 $0xFFFF, v2;
	v2 =	vshra.s32 v2, $0x10;
	[tilespmem:$0xF0] =	vst v7;
	vm0 =	veq.s32 v7, v1  }
0x8f: {  	v7 =	vshra.s32 v3, $0x10;
	v10 =	vld [tilespmem:$0x50];
	[tilespmem:$0xE0] =	vst v9;
	vm1 =	veq.s32 v9, v2;
	v1 =	vsel vm0, $0x2710, v1  }
0x90: {  	v9 =	vshra.s32 v4, $0x10;
	v2 =	vsel vm1, $0x2710, v2;
	[tilespmem:$0x170] =	vst v1  }
0x91: {  	v3 =	vand.u32 $0xFFFF, v3;
	v1 =	vand.u32 $0xFFFF, v4;
	v4 =	vshra.s32 v5, $0x10;
	[tilespmem:$0x160] =	vst v2  }
0x92: {  	vm1 =	veq.s32 v3, v7;
	vm0 =	veq.s32 v1, v9;
	[tilespmem:$0x80] =	vst v1;
	v11 =	vshra.s32 v6, $0x10  }
.Ltmp4:
0x93: {  	v2 =	vand.u32 $0xFFFF, v5;
	v9 =	vsel vm0, $0x2710, v9;
	[tilespmem:$0xA0] =	vst v3;
	v3 =	vsel vm1, $0x2710, v7;
	(pc) =	sbr.rel @p1 .LBB2_8-.Ltmp4, $4  }
0x94: {  	v1 =	vand.u32 $0xFFFF, v6;
	v5 =	vand.u32 $0xFFFF, v8;
	v6 =	vshra.s32 v8, $0x10;
	[tilespmem:$0x90] =	vst v2  }
0x95: {  	vm0 =	veq.s32 v2, v4;
	vm1 =	veq.s32 v1, v11;
	vm2 =	veq.s32 v5, v6;
	[tilespmem:$0x120] =	vst v3  }
0x96: {  	v2 =	vsel vm0, $0x2710, v4;
	v4 =	vsel vm1, $0x2710, v11;
	v3 =	vsel vm2, $0x2710, v6;
	[tilespmem:$0xC0] =	vst v5  }
0x97: {  	v6 =	vand.u32 $0xFFFF, v10;
	v5 =	vshra.s32 v10, $0x10;
	[tilespmem:$0x100] =	vst v9  }
0x98: {  	[tilespmem:$0xD0] =	vst v6  }
0x99: {  	[tilespmem:$0xB0] =	vst v1  }
0x9a: {  	[tilespmem:$0x130] =	vst v4  }
0x9b: {  	vm0 =	veq.s32 v6, v5;
	[tilespmem:$0x110] =	vst v2  }
0x9c: {  	[tilespmem:$0x140] =	vst v3;
	v1 =	vsel vm0, $0x2710, v5  }
0x9d: {  	[tilespmem:$0x150] =	vst v1  }
0x9e: {  	[tilespmem:s18], [sflag:$0x1] =	stream.indirect.gather [hbm4b:s4+s20], $0x80, s20, s20, $0xb8;
	[tilespmem:$0x18180] =	vst v63  }
0x9f: {  	_ =	swait.ge [sflag:s21], $0x4000  }
0xa0: {  	[sflag:s21] =	ssyncset.done $0x0  }
.Ltmp5:
0xa1: {  	[sflag:s21] =	ssyncadd.s32 $0xFFFFC000;
	(pc) =	sbr.rel .LBB2_10-.Ltmp5, $4  }
0xa2: {  	[spmem:s1] =	stream.indirect.scatter.add.f32 [tilespmem:s18], [sflag:$0x2], $0x80, s26, s20, $0xb8;
	[tilespmem:$0x18180] =	vst v63  }
0xa3: {  	_ =	swait.ge [sflag:s19], $0x4000  }
0xa4: {  	[sflag:s19] =	ssyncset.done $0x0  }
0xa5: {  	[sflag:s19] =	ssyncadd.s32 $0xFFFFC000  }
.LBB2_4:
0xa6: {  	s29 =	sadd.s32 $0x0, s16  }
0xa7: {  	[tilespmem:s2], [sflag:$0x2] =	stream.linear.gather [hbm4b:s29+s2], $0x80, $0x38;
	[tilespmem:$0x18180] =	vst v63  }
0xa8: {  	_ =	swait.ge [sflag:s19], $0x80  }
0xa9: {  	[sflag:s19] =	ssyncset.done $0x0  }
0xaa: {  	[sflag:s19] =	ssyncadd.s32 $0xFFFFFF80  }
0xab: {  	v1 =	vld [tilespmem:$0x70]  }
0xac: {  	v2 =	vld [tilespmem:$0x60]  }
0xad: {  	v3 =	vld [tilespmem:$0x20];
	_ =	sdelay $0x1  }
0xae: {  	v4 =	vld [tilespmem:$0x0]  }
0xaf: {  	v5 =	vld [tilespmem:$0x10];
	v6 =	vand.u32 $0xFFFF, v1;
	v1 =	vshra.s32 v1, $0x10  }
0xb0: {  	v7 =	vld [tilespmem:$0x30];
	v8 =	vand.u32 $0xFFFF, v2;
	v2 =	vshra.s32 v2, $0x10;
	[tilespmem:$0xF0] =	vst v6;
	vm0 =	veq.s32 v6, v1  }
0xb1: {  	v9 =	vld [tilespmem:$0x50];
	[tilespmem:$0xE0] =	vst v8;
	vm1 =	veq.s32 v8, v2;
	v8 =	vshra.s32 v3, $0x10;
	v3 =	vand.u32 $0xFFFF, v3  }
0xb2: {  	v6 =	vld [tilespmem:$0x40];
	v1 =	vsel vm0, $0x2710, v1;
	[tilespmem:$0xA0] =	vst v3  }
0xb3: {  	v2 =	vsel vm1, $0x2710, v2;
	vm13 =	veq.s32 v3, v8;
	[tilespmem:$0x170] =	vst v1;
	v1 =	vshra.s32 v4, $0x10  }
0xb4: {  	v4 =	vand.u32 $0xFFFF, v4;
	[tilespmem:$0x160] =	vst v2;
	v2 =	vshra.s32 v5, $0x10;
	v5 =	vand.u32 $0xFFFF, v5  }
0xb5: {  	v3 =	vsel vm13, $0x2710, v8;
	[tilespmem:$0x80] =	vst v4;
	vm12 =	veq.s32 v4, v1;
	v4 =	vshra.s32 v7, $0x10  }
0xb6: {  	[tilespmem:$0x90] =	vst v5;
	vm14 =	veq.s32 v5, v2;
	v5 =	vshra.s32 v9, $0x10;
	v10 =	vsel vm12, $0x2710, v1  }
0xb7: {  	[tilespmem:$0x120] =	vst v3;
	v1 =	vand.u32 $0xFFFF, v7;
	v7 =	vand.u32 $0xFFFF, v6;
	v6 =	vshra.s32 v6, $0x10  }
0xb8: {  	v2 =	vsel vm14, $0x2710, v2;
	vm15 =	veq.s32 v1, v4;
	[tilespmem:$0x100] =	vst v10;
	vm2 =	veq.s32 v7, v6  }
0xb9: {  	s29 =	simm.s32 $0x10;
	v4 =	vsel vm15, $0x2710, v4;
	[tilespmem:$0xC0] =	vst v7;
	v3 =	vsel vm2, $0x2710, v6;
	v6 =	vand.u32 $0xFFFF, v9  }
.LBB2_5:
0xba: {  	p1 =	seq.s32 s29, $0x600;
	[tilespmem:$0xD0] =	vst v6;
	vm0 =	veq.s32 v6, v5;
	s30 =	smov.u32 s29;
	s29 =	sadd.s32 $0x10, s29  }
0xbb: {  	[tilespmem:$0xB0] =	vst v1;
	v1 =	vsel vm0, $0x2710, v5  }
0xbc: {  	[tilespmem:$0x130] =	vst v4  }
0xbd: {  	[tilespmem:$0x150] =	vst v1  }
0xbe: {  	[tilespmem:$0x110] =	vst v2  }
0xbf: {  	[tilespmem:$0x140] =	vst v3  }
0xc0: {  	[tilespmem:s18], [sflag:$0x1] =	stream.indirect.gather [hbm4b:s4+s20], $0x80, s20, s20, $0xb8;
	[tilespmem:$0x18180] =	vst v63  }
0xc1: {  	_ =	swait.ge [sflag:s21], $0x4000  }
0xc2: {  	[sflag:s21] =	ssyncset.done $0x0  }
0xc3: {  	[sflag:s21] =	ssyncadd.s32 $0xFFFFC000  }
0xc4: {  	[spmem:s1] =	stream.indirect.scatter.add.f32 [tilespmem:s18], [sflag:$0x2], $0x80, s26, s20, $0xb8;
	[tilespmem:$0x18180] =	vst v63  }
0xc5: {  	_ =	swait.ge [sflag:s19], $0x4000  }
0xc6: {  	[sflag:s19] =	ssyncset.done $0x0  }
0xc7: {  	s30 =	sadd.s32 s30, s16;
	[sflag:s19] =	ssyncadd.s32 $0xFFFFC000  }
0xc8: {  	[tilespmem:s2], [sflag:$0x2] =	stream.linear.gather [hbm4b:s30+s2], $0x80, $0x38;
	[tilespmem:$0x18180] =	vst v63  }
0xc9: {  	_ =	swait.ge [sflag:s19], $0x80  }
0xca: {  	[sflag:s19] =	ssyncset.done $0x0  }
0xcb: {  	[sflag:s19] =	ssyncadd.s32 $0xFFFFFF80  }
0xcc: {  	v1 =	vld [tilespmem:$0x70]  }
0xcd: {  	v2 =	vld [tilespmem:$0x60]  }
0xce: {  	v3 =	vld [tilespmem:$0x20]  }
0xcf: {  	v4 =	vld [tilespmem:$0x0]  }
0xd0: {  	v5 =	vld [tilespmem:$0x10]  }
0xd1: {  	v6 =	vld [tilespmem:$0x30];
	v7 =	vand.u32 $0xFFFF, v1;
	v1 =	vshra.s32 v1, $0x10  }
0xd2: {  	v8 =	vld [tilespmem:$0x40];
	v9 =	vand.u32 $0xFFFF, v2;
	v2 =	vshra.s32 v2, $0x10;
	[tilespmem:$0xF0] =	vst v7;
	vm0 =	veq.s32 v7, v1  }
0xd3: {  	v7 =	vshra.s32 v3, $0x10;
	v10 =	vld [tilespmem:$0x50];
	[tilespmem:$0xE0] =	vst v9;
	vm1 =	veq.s32 v9, v2;
	v1 =	vsel vm0, $0x2710, v1  }
0xd4: {  	v9 =	vshra.s32 v4, $0x10;
	v2 =	vsel vm1, $0x2710, v2;
	[tilespmem:$0x170] =	vst v1  }
0xd5: {  	v3 =	vand.u32 $0xFFFF, v3;
	v1 =	vand.u32 $0xFFFF, v4;
	v4 =	vshra.s32 v5, $0x10;
	[tilespmem:$0x160] =	vst v2  }
0xd6: {  	vm1 =	veq.s32 v3, v7;
	vm0 =	veq.s32 v1, v9;
	[tilespmem:$0x80] =	vst v1;
	v11 =	vshra.s32 v6, $0x10  }
.Ltmp6:
0xd7: {  	v2 =	vand.u32 $0xFFFF, v5;
	v9 =	vsel vm0, $0x2710, v9;
	[tilespmem:$0xA0] =	vst v3;
	v3 =	vsel vm1, $0x2710, v7;
	(pc) =	sbr.rel @!p1 .LBB2_5-.Ltmp6, $4  }
0xd8: {  	v1 =	vand.u32 $0xFFFF, v6;
	v5 =	vand.u32 $0xFFFF, v8;
	v6 =	vshra.s32 v8, $0x10;
	[tilespmem:$0x90] =	vst v2  }
0xd9: {  	vm0 =	veq.s32 v2, v4;
	vm1 =	veq.s32 v1, v11;
	vm2 =	veq.s32 v5, v6;
	[tilespmem:$0x120] =	vst v3  }
0xda: {  	v2 =	vsel vm0, $0x2710, v4;
	v4 =	vsel vm1, $0x2710, v11;
	v3 =	vsel vm2, $0x2710, v6;
	[tilespmem:$0xC0] =	vst v5  }
0xdb: {  	v6 =	vand.u32 $0xFFFF, v10;
	v5 =	vshra.s32 v10, $0x10;
	[tilespmem:$0x100] =	vst v9  }
.Ltmp7:
0xdc: {  	_ = 	snop;
	(pc) =	sbr.rel .LBB2_6-.Ltmp7, $1  }
0xdd: {  	_ =	sdelay $0x3  }
.LBB2_11:
0xde: {  	_ =	sfence.sel $0x180000  }
0xdf: {  	[bflag:$0x0] =	sbarrier.arrive $0xFFFF  }
0xe0: {  	p0 =	sne.s32 s3, $0x0;
	_ =	strace $0x9000004A  }
0xe1: {  	s0 =	sadd.s32 @!p0 $0x100000, s0;
	[bflag:$0x2] =	sbarrier.arrive $0xFFFF  }
0xe2: {  	[sflag:s0] =	ssyncadd.tile.s32 @!p0 $0x1;
	_ =	shalt  }
.Lfunc_end2:
_tile_overlayer_lowered:
.L_overlay_start_2:
0xe3: {  	(tag) =	ssettag $0x2  }
0xe4: {  	s0 =	rddreg [dreg:$0x0];
	s2 =	stileid.u32  }
0xe5: {  	s1 =	rddreg [dreg:$0x1];
	p0 =	sne.s32 s2, $0x0  }
0xe6: {  	s3 =	rddreg [dreg:$0x2];
	[bflag:$0x3] =	sbarrier.arrive $0xFFFF;
	s2 =	simm.s32 @!p0 $0x1C02  }
0xe7: {  	[timem:s3], [sflag:s2] =	dma.local @!p0 [hbm:s0], s1  }
0xe8: {  	s0 =	simm.s32 @!p0 $0x2  }
0xe9: {  	_ =	swait.ge @!p0 [sflag:s0], s1  }
0xea: {  	s1 =	ssub.s32 @!p0 $0x0, s1;
	[sflag:s0] =	ssyncset.done @!p0 $0x0  }
0xeb: {  	[sflag:s0] =	ssyncadd.s32 @!p0 s1  }
0xec: {  	[bflag:$0x3] =	sbarrier.arrive $0xFFFF  }
0xed: {  	_ =	shalt  }

</sc_bundles>
